<compile_context>
chip_gen: v7x
topology: tpu7x:2x2x1
jax: 0.10.2.dev20260603
libtpu: 0.0.44.dev20260713+nightly
codegen_flags: <defaults>
</compile_context>

<pallas_src>
import functools

import jax
import jax.numpy as jnp
from jax import lax
from jax.experimental import pallas as pl
from jax.experimental.pallas import tpu as pltpu
from jax.experimental.pallas import tpu_sc as plsc

N_NODES = 10000
D = 128
EPS = 1e-07

NS = 16
CHUNK = 128
GROUP = 32
TILE_ROWS = 640
ACC_ROWS = NS * TILE_ROWS

ROW_BLK = 1000


def _table_body(x_ref, u_ref, t_ref):
    m = jnp.maximum(x_ref[...], 0.0) + EPS
    t = jnp.exp(m)
    u_ref[...] = m * t
    t_ref[...] = t


def _final_body(num_ref, den_ref, w_ref, b_ref, o_ref):
    den = den_ref[0]
    a = jnp.where(den > 0.0, num_ref[0] / den, 0.0)
    o_ref[...] = (
        lax.dot_general(a, w_ref[...], (((1,), (1,)), ((), ())),
                        preferred_element_type=jnp.float32)
        + b_ref[...]
    )


def _sc_edge_body(n_chunks, u_hbm, t_hbm, src_hbm, dst_hbm, out_hbm, acc):
    pl.run_scoped(
        functools.partial(_sc_edge_inner, n_chunks, u_hbm, t_hbm, src_hbm,
                          dst_hbm, out_hbm, acc),
        pltpu.VMEM((GROUP, CHUNK), jnp.int32),
        pltpu.VMEM((GROUP, CHUNK), jnp.int32),
        pltpu.VMEM((CHUNK, D), jnp.float32),
        pltpu.VMEM((CHUNK, D), jnp.float32),
        pltpu.SemaphoreType.DMA,
        pltpu.SemaphoreType.DMA,
    )


def _sc_edge_inner(n_chunks, u_hbm, t_hbm, src_hbm, dst_hbm, out_hbm, acc,
                   src_v, dst_v, rows_a, rows_b, sem_a, sem_b):
    c = lax.axis_index("c")
    s = lax.axis_index("s")
    base = s * TILE_ROWS

    def _zero_row(r, carry):
        for k in range(8):
            rows_a[r, pl.ds(16 * k, 16)] = jnp.zeros((16,), jnp.float32)
        return carry

    lax.fori_loop(0, CHUNK, _zero_row, 0)
    for k in range(TILE_ROWS // CHUNK):
        pltpu.sync_copy(rows_a, acc.at[pl.ds(base + k * CHUNK, CHUNK)])

    plsc.subcore_barrier()

    def _run(tab):
        def _start(j, rows, sem):
            pltpu.make_async_copy(tab.at[src_v.at[j]], rows, sem).start()

        def _finish(j, rows, sem):
            pltpu.make_async_copy(tab.at[src_v.at[j]], rows, sem).wait()
            pltpu.sync_copy(rows, acc.at[dst_v.at[j]], add=True)

        def _group(g, carry):
            pltpu.sync_copy(src_hbm.at[s, pl.ds(g * GROUP, GROUP)], src_v)
            pltpu.sync_copy(dst_hbm.at[s, pl.ds(g * GROUP, GROUP)], dst_v)
            _start(0, rows_a, sem_a)

            def _pair(i, cc):
                j0 = 2 * i
                j1 = j0 + 1
                _start(j1, rows_b, sem_b)
                _finish(j0, rows_a, sem_a)

                @pl.when(j1 + 1 < GROUP)
                def _():
                    _start(j1 + 1, rows_a, sem_a)

                _finish(j1, rows_b, sem_b)
                return cc

            lax.fori_loop(0, GROUP // 2, _pair, 0)
            return carry

        lax.fori_loop(0, n_chunks // GROUP, _group, 0)

    @pl.when(c == 0)
    def _():
        _run(u_hbm)

    @pl.when(c == 1)
    def _():
        _run(t_hbm)

    plsc.subcore_barrier()

    for k in range(TILE_ROWS // CHUNK):
        off = base + k * CHUNK
        pltpu.sync_copy(acc.at[pl.ds(off, CHUNK)], rows_a)
        pltpu.sync_copy(rows_a, out_hbm.at[c, pl.ds(off, CHUNK)])


def kernel(x, edge_index, W, b):
    n = x.shape[0]
    e = edge_index.shape[1]

    grid = n // ROW_BLK
    u, t = pl.pallas_call(
        _table_body,
        grid=(grid,),
        in_specs=[pl.BlockSpec((ROW_BLK, D), lambda i: (i, 0))],
        out_specs=[pl.BlockSpec((ROW_BLK, D), lambda i: (i, 0)),
                   pl.BlockSpec((ROW_BLK, D), lambda i: (i, 0))],
        out_shape=[jax.ShapeDtypeStruct((n, D), jnp.float32),
                   jax.ShapeDtypeStruct((n, D), jnp.float32)],
    )(x)

    n_groups = -(-e // (NS * CHUNK * GROUP))
    n_chunks = n_groups * GROUP
    e_pad = NS * n_chunks * CHUNK
    dst = edge_index[0]
    src = edge_index[1]
    if e_pad > e:
        pad = e_pad - e
        src = jnp.concatenate([src, jnp.zeros((pad,), jnp.int32)])
        dst = jnp.concatenate([dst, jnp.full((pad,), N_NODES, jnp.int32)])
    src_r = src.reshape(NS, n_chunks, CHUNK)
    dst_r = dst.reshape(NS, n_chunks, CHUNK)

    mesh = plsc.VectorSubcoreMesh(core_axis_name="c", subcore_axis_name="s")
    nd = pl.kernel(
        functools.partial(_sc_edge_body, n_chunks),
        mesh=mesh,
        out_type=jax.ShapeDtypeStruct((2, ACC_ROWS, D), jnp.float32),
        scratch_types=[
            pltpu.VMEM_SHARED((ACC_ROWS, D), jnp.float32),
        ],
    )(u, t, src_r, dst_r)

    out = pl.pallas_call(
        _final_body,
        grid=(grid,),
        in_specs=[pl.BlockSpec((1, ROW_BLK, D), lambda i: (0, i, 0)),
                  pl.BlockSpec((1, ROW_BLK, D), lambda i: (1, i, 0)),
                  pl.BlockSpec((D, D), lambda i: (0, 0)),
                  pl.BlockSpec((1, D), lambda i: (0, 0))],
        out_specs=pl.BlockSpec((ROW_BLK, D), lambda i: (i, 0)),
        out_shape=jax.ShapeDtypeStruct((n, D), jnp.float32),
    )(nd, nd, W, b.reshape(1, D))
    return out

# --- scband reference (transcript-rebuilt; emitter-appended) ---
"""Pipeline reference for scband-genconv-41609643164450 (READ-ONLY COPY).

The authoritative reference and input builder live on the scoring server;
editing this copy changes nothing except your own understanding.
"""

import jax, jax.numpy as jnp
import numpy as np

N = 10000
E = 320000
D_IN = 128
D_OUT = 128
EPS = 1e-07
BETA = 1.0


def setup_inputs(seed: int = 0) -> dict:
    key = jax.random.key(seed)
    k1, k2, k3, k4 = jax.random.split(key, 4)
    x = jax.random.normal(k1, (N, D_IN), dtype=jnp.float32)
    edge_index = jax.random.randint(k2, (2, E), 0, N, dtype=jnp.int32)
    # nn.Linear(in_feat, out_feat) params
    W = jax.random.normal(k3, (D_OUT, D_IN), dtype=jnp.float32) * (1.0 / np.sqrt(D_IN))
    b = jax.random.normal(k4, (D_OUT,), dtype=jnp.float32) * (1.0 / np.sqrt(D_IN))
    return {"x": x, "edge_index": edge_index, "W": W, "b": b}


def reference(x, edge_index, W, b):
    dst = edge_index[0]
    src = edge_index[1]
    # message: gather src features, ReLU + eps
    edge_msg = jax.nn.relu(x[src]) + EPS
    # softmax_sg aggregation: edge softmax of beta*edge_msg grouped by dst node
    logits = BETA * edge_msg
    seg_max = jax.ops.segment_max(logits, dst, num_segments=N)
    seg_max = jnp.where(jnp.isfinite(seg_max), seg_max, 0.0)
    ex = jnp.exp(logits - seg_max[dst])
    denom = jax.ops.segment_sum(ex, dst, num_segments=N)
    alpha = ex / denom[dst]
    h = edge_msg * alpha
    # scatter-add to destination nodes
    agg = jax.ops.segment_sum(h, dst, num_segments=N)
    # final linear (self.mlp)
    out = agg @ W.T + b
    return out

if __name__ == "__main__":
    import jax
    _d = setup_inputs()
    print(jax.jit(kernel)(*tuple(_d.values())))

</pallas_src>

<mosaic_0001>
#map = affine_map<(d0, d1) -> (0, 0)>
#map1 = affine_map<(d0, d1) -> (0, 0, 0)>
module attributes {stable_mosaic.version = 14 : i64} {
  func.func @_sc_edge_body(%arg0: i32, %arg1: i32, %arg2: memref<10000x128xf32, #tpu.memory_space<hbm>>, %arg3: memref<10000x128xf32, #tpu.memory_space<hbm>>, %arg4: memref<16x160x128xi32, #tpu.memory_space<hbm>>, %arg5: memref<16x160x128xi32, #tpu.memory_space<hbm>>, %arg6: memref<2x10240x128xf32, #tpu.memory_space<hbm>>, %arg7: memref<10240x128xf32, #tpu.memory_space<vmem_shared>>) attributes {dimension_semantics = [#tpu.dimension_semantics<core_parallel>, #tpu.dimension_semantics<subcore_parallel>], iteration_bounds = array<i64: 2, 16>, scalar_prefetch = 0 : i64, scratch_operands = 1 : i64, tpu.core_type = #tpu.core_type<sc_vector_subcore>, window_params = [{transform_indices = #map}, {transform_indices = #map}, {transform_indices = #map1}, {transform_indices = #map1}, {transform_indices = #map1}]} {
    "tpu.region"() ({
      %run_scoped3A = memref.alloca() : memref<32x128xi32, #tpu.memory_space<vmem>>
      %run_scoped3A_0 = memref.alloca() : memref<32x128xi32, #tpu.memory_space<vmem>>
      %run_scoped3A_1 = memref.alloca() : memref<128x128xf32, #tpu.memory_space<vmem>>
      %run_scoped3A_2 = memref.alloca() : memref<128x128xf32, #tpu.memory_space<vmem>>
      %run_scoped3A_3 = tpu.sem_alloc : memref<!tpu.dma_semaphore, #tpu.memory_space<semaphore_mem>>
      %run_scoped3A_4 = tpu.sem_alloc : memref<!tpu.dma_semaphore, #tpu.memory_space<semaphore_mem>>
      %mul3A = arith.constant 640 : i32
      %mul3A_5 = arith.muli %arg1, %mul3A : i32
      %scan3A = arith.constant 0 : i32
      %scan3A_6 = arith.constant 0 : i32
      %scan3A_7 = arith.constant 128 : i32
      %scan3A_8 = arith.addi %scan3A_6, %scan3A_7 : i32
      %scan3A_9 = arith.constant 1 : i32
      scf.for %scan3A_38 = %scan3A_6 to %scan3A_8 step %scan3A_9  : i32 {
        %broadcast_in_dim3A = arith.constant 0.000000e+00 : f32
        %broadcast_in_dim3A_39 = vector.broadcast %broadcast_in_dim3A : f32 to vector<16xf32>
        %swap3A = arith.index_cast %scan3A_38 : i32 to index
        %swap3A_40 = arith.constant 0 : index
        %swap3A_41 = tpu.vector_load %run_scoped3A_1[%swap3A, %swap3A_40] {strides = array<i32>} : memref<128x128xf32, #tpu.memory_space<vmem>>, vector<1x16xf32>,
        %swap3A_42 = vector.shape_cast %swap3A_41 : vector<1x16xf32> to vector<16xf32>
        %swap3A_43 = vector.shape_cast %broadcast_in_dim3A_39 : vector<16xf32> to vector<1x16xf32>
        tpu.vector_store %run_scoped3A_1[%swap3A, %swap3A_40], %swap3A_43 {strides = array<i32>} : memref<128x128xf32, #tpu.memory_space<vmem>>, vector<1x16xf32>,
        %broadcast_in_dim3A_44 = arith.constant 0.000000e+00 : f32
        %broadcast_in_dim3A_45 = vector.broadcast %broadcast_in_dim3A_44 : f32 to vector<16xf32>
        %swap3A_46 = arith.index_cast %scan3A_38 : i32 to index
        %swap3A_47 = arith.constant 16 : index
        %swap3A_48 = tpu.vector_load %run_scoped3A_1[%swap3A_46, %swap3A_47] {strides = array<i32>} : memref<128x128xf32, #tpu.memory_space<vmem>>, vector<1x16xf32>,
        %swap3A_49 = vector.shape_cast %swap3A_48 : vector<1x16xf32> to vector<16xf32>
        %swap3A_50 = vector.shape_cast %broadcast_in_dim3A_45 : vector<16xf32> to vector<1x16xf32>
        tpu.vector_store %run_scoped3A_1[%swap3A_46, %swap3A_47], %swap3A_50 {strides = array<i32>} : memref<128x128xf32, #tpu.memory_space<vmem>>, vector<1x16xf32>,
        %broadcast_in_dim3A_51 = arith.constant 0.000000e+00 : f32
        %broadcast_in_dim3A_52 = vector.broadcast %broadcast_in_dim3A_51 : f32 to vector<16xf32>
        %swap3A_53 = arith.index_cast %scan3A_38 : i32 to index
        %swap3A_54 = arith.constant 32 : index
        %swap3A_55 = tpu.vector_load %run_scoped3A_1[%swap3A_53, %swap3A_54] {strides = array<i32>} : memref<128x128xf32, #tpu.memory_space<vmem>>, vector<1x16xf32>,
        %swap3A_56 = vector.shape_cast %swap3A_55 : vector<1x16xf32> to vector<16xf32>
        %swap3A_57 = vector.shape_cast %broadcast_in_dim3A_52 : vector<16xf32> to vector<1x16xf32>
        tpu.vector_store %run_scoped3A_1[%swap3A_53, %swap3A_54], %swap3A_57 {strides = array<i32>} : memref<128x128xf32, #tpu.memory_space<vmem>>, vector<1x16xf32>,
        %broadcast_in_dim3A_58 = arith.constant 0.000000e+00 : f32
        %broadcast_in_dim3A_59 = vector.broadcast %broadcast_in_dim3A_58 : f32 to vector<16xf32>
        %swap3A_60 = arith.index_cast %scan3A_38 : i32 to index
        %swap3A_61 = arith.constant 48 : index
        %swap3A_62 = tpu.vector_load %run_scoped3A_1[%swap3A_60, %swap3A_61] {strides = array<i32>} : memref<128x128xf32, #tpu.memory_space<vmem>>, vector<1x16xf32>,
        %swap3A_63 = vector.shape_cast %swap3A_62 : vector<1x16xf32> to vector<16xf32>
        %swap3A_64 = vector.shape_cast %broadcast_in_dim3A_59 : vector<16xf32> to vector<1x16xf32>
        tpu.vector_store %run_scoped3A_1[%swap3A_60, %swap3A_61], %swap3A_64 {strides = array<i32>} : memref<128x128xf32, #tpu.memory_space<vmem>>, vector<1x16xf32>,
        %broadcast_in_dim3A_65 = arith.constant 0.000000e+00 : f32
        %broadcast_in_dim3A_66 = vector.broadcast %broadcast_in_dim3A_65 : f32 to vector<16xf32>
        %swap3A_67 = arith.index_cast %scan3A_38 : i32 to index
        %swap3A_68 = arith.constant 64 : index
        %swap3A_69 = tpu.vector_load %run_scoped3A_1[%swap3A_67, %swap3A_68] {strides = array<i32>} : memref<128x128xf32, #tpu.memory_space<vmem>>, vector<1x16xf32>,
        %swap3A_70 = vector.shape_cast %swap3A_69 : vector<1x16xf32> to vector<16xf32>
        %swap3A_71 = vector.shape_cast %broadcast_in_dim3A_66 : vector<16xf32> to vector<1x16xf32>
        tpu.vector_store %run_scoped3A_1[%swap3A_67, %swap3A_68], %swap3A_71 {strides = array<i32>} : memref<128x128xf32, #tpu.memory_space<vmem>>, vector<1x16xf32>,
        %broadcast_in_dim3A_72 = arith.constant 0.000000e+00 : f32
        %broadcast_in_dim3A_73 = vector.broadcast %broadcast_in_dim3A_72 : f32 to vector<16xf32>
        %swap3A_74 = arith.index_cast %scan3A_38 : i32 to index
        %swap3A_75 = arith.constant 80 : index
        %swap3A_76 = tpu.vector_load %run_scoped3A_1[%swap3A_74, %swap3A_75] {strides = array<i32>} : memref<128x128xf32, #tpu.memory_space<vmem>>, vector<1x16xf32>,
        %swap3A_77 = vector.shape_cast %swap3A_76 : vector<1x16xf32> to vector<16xf32>
        %swap3A_78 = vector.shape_cast %broadcast_in_dim3A_73 : vector<16xf32> to vector<1x16xf32>
        tpu.vector_store %run_scoped3A_1[%swap3A_74, %swap3A_75], %swap3A_78 {strides = array<i32>} : memref<128x128xf32, #tpu.memory_space<vmem>>, vector<1x16xf32>,
        %broadcast_in_dim3A_79 = arith.constant 0.000000e+00 : f32
        %broadcast_in_dim3A_80 = vector.broadcast %broadcast_in_dim3A_79 : f32 to vector<16xf32>
        %swap3A_81 = arith.index_cast %scan3A_38 : i32 to index
        %swap3A_82 = arith.constant 96 : index
        %swap3A_83 = tpu.vector_load %run_scoped3A_1[%swap3A_81, %swap3A_82] {strides = array<i32>} : memref<128x128xf32, #tpu.memory_space<vmem>>, vector<1x16xf32>,
        %swap3A_84 = vector.shape_cast %swap3A_83 : vector<1x16xf32> to vector<16xf32>
        %swap3A_85 = vector.shape_cast %broadcast_in_dim3A_80 : vector<16xf32> to vector<1x16xf32>
        tpu.vector_store %run_scoped3A_1[%swap3A_81, %swap3A_82], %swap3A_85 {strides = array<i32>} : memref<128x128xf32, #tpu.memory_space<vmem>>, vector<1x16xf32>,
        %broadcast_in_dim3A_86 = arith.constant 0.000000e+00 : f32
        %broadcast_in_dim3A_87 = vector.broadcast %broadcast_in_dim3A_86 : f32 to vector<16xf32>
        %swap3A_88 = arith.index_cast %scan3A_38 : i32 to index
        %swap3A_89 = arith.constant 112 : index
        %swap3A_90 = tpu.vector_load %run_scoped3A_1[%swap3A_88, %swap3A_89] {strides = array<i32>} : memref<128x128xf32, #tpu.memory_space<vmem>>, vector<1x16xf32>,
        %swap3A_91 = vector.shape_cast %swap3A_90 : vector<1x16xf32> to vector<16xf32>
        %swap3A_92 = vector.shape_cast %broadcast_in_dim3A_87 : vector<16xf32> to vector<1x16xf32>
        tpu.vector_store %run_scoped3A_1[%swap3A_88, %swap3A_89], %swap3A_92 {strides = array<i32>} : memref<128x128xf32, #tpu.memory_space<vmem>>, vector<1x16xf32>,
      }
      %scan3A_10 = arith.constant 128 : i32
      %add3A = arith.constant 0 : i32
      %add3A_11 = arith.addi %mul3A_5, %add3A : i32
      "tpu.region"() ({
        %run_scoped3A_38 = tpu.sem_alloc : memref<!tpu.dma_semaphore, #tpu.memory_space<semaphore_mem>>
        %dma_start3A = arith.constant 0 : i32
        %dma_start3A_39 = tpu.memref_slice %arg7[%add3A_11, %dma_start3A] : memref<10240x128xf32, #tpu.memory_space<vmem_shared>> -> memref<128x128xf32, #tpu.memory_space<vmem_shared>>
        %dma_start3A_40 = arith.constant 0 : i32
        %dma_start3A_41 = tpu.memref_slice %arg7[%add3A_11, %dma_start3A_40] : memref<10240x128xf32, #tpu.memory_space<vmem_shared>> -> memref<128x128xf32, #tpu.memory_space<vmem_shared>>
        tpu.enqueue_dma source(%run_scoped3A_1 : memref<128x128xf32, #tpu.memory_space<vmem>>) target(%dma_start3A_41 : memref<128x128xf32, #tpu.memory_space<vmem_shared>>) target_semaphore(%run_scoped3A_38 : memref<!tpu.dma_semaphore, #tpu.memory_space<semaphore_mem>>)
        %dma_wait3A = arith.constant 0 : i32
        %dma_wait3A_42 = tpu.memref_slice %arg7[%add3A_11, %dma_wait3A] : memref<10240x128xf32, #tpu.memory_space<vmem_shared>> -> memref<128x128xf32, #tpu.memory_space<vmem_shared>>
        %dma_wait3A_43 = arith.constant 0 : i32
        %dma_wait3A_44 = tpu.memref_slice %arg7[%add3A_11, %dma_wait3A_43] : memref<10240x128xf32, #tpu.memory_space<vmem_shared>> -> memref<128x128xf32, #tpu.memory_space<vmem_shared>>
        tpu.wait_dma2 semaphore(%run_scoped3A_38 : memref<!tpu.dma_semaphore, #tpu.memory_space<semaphore_mem>>) src(%run_scoped3A_1 : memref<128x128xf32, #tpu.memory_space<vmem>>) dst(%dma_wait3A_44 : memref<128x128xf32, #tpu.memory_space<vmem_shared>>)
        tpu.yield
      }) : () -> ()
      %add3A_12 = arith.constant 128 : i32
      %add3A_13 = arith.addi %mul3A_5, %add3A_12 : i32
      "tpu.region"() ({
        %run_scoped3A_38 = tpu.sem_alloc : memref<!tpu.dma_semaphore, #tpu.memory_space<semaphore_mem>>
        %dma_start3A = arith.constant 0 : i32
        %dma_start3A_39 = tpu.memref_slice %arg7[%add3A_13, %dma_start3A] : memref<10240x128xf32, #tpu.memory_space<vmem_shared>> -> memref<128x128xf32, #tpu.memory_space<vmem_shared>>
        %dma_start3A_40 = arith.constant 0 : i32
        %dma_start3A_41 = tpu.memref_slice %arg7[%add3A_13, %dma_start3A_40] : memref<10240x128xf32, #tpu.memory_space<vmem_shared>> -> memref<128x128xf32, #tpu.memory_space<vmem_shared>>
        tpu.enqueue_dma source(%run_scoped3A_1 : memref<128x128xf32, #tpu.memory_space<vmem>>) target(%dma_start3A_41 : memref<128x128xf32, #tpu.memory_space<vmem_shared>>) target_semaphore(%run_scoped3A_38 : memref<!tpu.dma_semaphore, #tpu.memory_space<semaphore_mem>>)
        %dma_wait3A = arith.constant 0 : i32
        %dma_wait3A_42 = tpu.memref_slice %arg7[%add3A_13, %dma_wait3A] : memref<10240x128xf32, #tpu.memory_space<vmem_shared>> -> memref<128x128xf32, #tpu.memory_space<vmem_shared>>
        %dma_wait3A_43 = arith.constant 0 : i32
        %dma_wait3A_44 = tpu.memref_slice %arg7[%add3A_13, %dma_wait3A_43] : memref<10240x128xf32, #tpu.memory_space<vmem_shared>> -> memref<128x128xf32, #tpu.memory_space<vmem_shared>>
        tpu.wait_dma2 semaphore(%run_scoped3A_38 : memref<!tpu.dma_semaphore, #tpu.memory_space<semaphore_mem>>) src(%run_scoped3A_1 : memref<128x128xf32, #tpu.memory_space<vmem>>) dst(%dma_wait3A_44 : memref<128x128xf32, #tpu.memory_space<vmem_shared>>)
        tpu.yield
      }) : () -> ()
      %add3A_14 = arith.constant 256 : i32
      %add3A_15 = arith.addi %mul3A_5, %add3A_14 : i32
      "tpu.region"() ({
        %run_scoped3A_38 = tpu.sem_alloc : memref<!tpu.dma_semaphore, #tpu.memory_space<semaphore_mem>>
        %dma_start3A = arith.constant 0 : i32
        %dma_start3A_39 = tpu.memref_slice %arg7[%add3A_15, %dma_start3A] : memref<10240x128xf32, #tpu.memory_space<vmem_shared>> -> memref<128x128xf32, #tpu.memory_space<vmem_shared>>
        %dma_start3A_40 = arith.constant 0 : i32
        %dma_start3A_41 = tpu.memref_slice %arg7[%add3A_15, %dma_start3A_40] : memref<10240x128xf32, #tpu.memory_space<vmem_shared>> -> memref<128x128xf32, #tpu.memory_space<vmem_shared>>
        tpu.enqueue_dma source(%run_scoped3A_1 : memref<128x128xf32, #tpu.memory_space<vmem>>) target(%dma_start3A_41 : memref<128x128xf32, #tpu.memory_space<vmem_shared>>) target_semaphore(%run_scoped3A_38 : memref<!tpu.dma_semaphore, #tpu.memory_space<semaphore_mem>>)
        %dma_wait3A = arith.constant 0 : i32
        %dma_wait3A_42 = tpu.memref_slice %arg7[%add3A_15, %dma_wait3A] : memref<10240x128xf32, #tpu.memory_space<vmem_shared>> -> memref<128x128xf32, #tpu.memory_space<vmem_shared>>
        %dma_wait3A_43 = arith.constant 0 : i32
        %dma_wait3A_44 = tpu.memref_slice %arg7[%add3A_15, %dma_wait3A_43] : memref<10240x128xf32, #tpu.memory_space<vmem_shared>> -> memref<128x128xf32, #tpu.memory_space<vmem_shared>>
        tpu.wait_dma2 semaphore(%run_scoped3A_38 : memref<!tpu.dma_semaphore, #tpu.memory_space<semaphore_mem>>) src(%run_scoped3A_1 : memref<128x128xf32, #tpu.memory_space<vmem>>) dst(%dma_wait3A_44 : memref<128x128xf32, #tpu.memory_space<vmem_shared>>)
        tpu.yield
      }) : () -> ()
      %add3A_16 = arith.constant 384 : i32
      %add3A_17 = arith.addi %mul3A_5, %add3A_16 : i32
      "tpu.region"() ({
        %run_scoped3A_38 = tpu.sem_alloc : memref<!tpu.dma_semaphore, #tpu.memory_space<semaphore_mem>>
        %dma_start3A = arith.constant 0 : i32
        %dma_start3A_39 = tpu.memref_slice %arg7[%add3A_17, %dma_start3A] : memref<10240x128xf32, #tpu.memory_space<vmem_shared>> -> memref<128x128xf32, #tpu.memory_space<vmem_shared>>
        %dma_start3A_40 = arith.constant 0 : i32
        %dma_start3A_41 = tpu.memref_slice %arg7[%add3A_17, %dma_start3A_40] : memref<10240x128xf32, #tpu.memory_space<vmem_shared>> -> memref<128x128xf32, #tpu.memory_space<vmem_shared>>
        tpu.enqueue_dma source(%run_scoped3A_1 : memref<128x128xf32, #tpu.memory_space<vmem>>) target(%dma_start3A_41 : memref<128x128xf32, #tpu.memory_space<vmem_shared>>) target_semaphore(%run_scoped3A_38 : memref<!tpu.dma_semaphore, #tpu.memory_space<semaphore_mem>>)
        %dma_wait3A = arith.constant 0 : i32
        %dma_wait3A_42 = tpu.memref_slice %arg7[%add3A_17, %dma_wait3A] : memref<10240x128xf32, #tpu.memory_space<vmem_shared>> -> memref<128x128xf32, #tpu.memory_space<vmem_shared>>
        %dma_wait3A_43 = arith.constant 0 : i32
        %dma_wait3A_44 = tpu.memref_slice %arg7[%add3A_17, %dma_wait3A_43] : memref<10240x128xf32, #tpu.memory_space<vmem_shared>> -> memref<128x128xf32, #tpu.memory_space<vmem_shared>>
        tpu.wait_dma2 semaphore(%run_scoped3A_38 : memref<!tpu.dma_semaphore, #tpu.memory_space<semaphore_mem>>) src(%run_scoped3A_1 : memref<128x128xf32, #tpu.memory_space<vmem>>) dst(%dma_wait3A_44 : memref<128x128xf32, #tpu.memory_space<vmem_shared>>)
        tpu.yield
      }) : () -> ()
      %add3A_18 = arith.constant 512 : i32
      %add3A_19 = arith.addi %mul3A_5, %add3A_18 : i32
      "tpu.region"() ({
        %run_scoped3A_38 = tpu.sem_alloc : memref<!tpu.dma_semaphore, #tpu.memory_space<semaphore_mem>>
        %dma_start3A = arith.constant 0 : i32
        %dma_start3A_39 = tpu.memref_slice %arg7[%add3A_19, %dma_start3A] : memref<10240x128xf32, #tpu.memory_space<vmem_shared>> -> memref<128x128xf32, #tpu.memory_space<vmem_shared>>
        %dma_start3A_40 = arith.constant 0 : i32
        %dma_start3A_41 = tpu.memref_slice %arg7[%add3A_19, %dma_start3A_40] : memref<10240x128xf32, #tpu.memory_space<vmem_shared>> -> memref<128x128xf32, #tpu.memory_space<vmem_shared>>
        tpu.enqueue_dma source(%run_scoped3A_1 : memref<128x128xf32, #tpu.memory_space<vmem>>) target(%dma_start3A_41 : memref<128x128xf32, #tpu.memory_space<vmem_shared>>) target_semaphore(%run_scoped3A_38 : memref<!tpu.dma_semaphore, #tpu.memory_space<semaphore_mem>>)
        %dma_wait3A = arith.constant 0 : i32
        %dma_wait3A_42 = tpu.memref_slice %arg7[%add3A_19, %dma_wait3A] : memref<10240x128xf32, #tpu.memory_space<vmem_shared>> -> memref<128x128xf32, #tpu.memory_space<vmem_shared>>
        %dma_wait3A_43 = arith.constant 0 : i32
        %dma_wait3A_44 = tpu.memref_slice %arg7[%add3A_19, %dma_wait3A_43] : memref<10240x128xf32, #tpu.memory_space<vmem_shared>> -> memref<128x128xf32, #tpu.memory_space<vmem_shared>>
        tpu.wait_dma2 semaphore(%run_scoped3A_38 : memref<!tpu.dma_semaphore, #tpu.memory_space<semaphore_mem>>) src(%run_scoped3A_1 : memref<128x128xf32, #tpu.memory_space<vmem>>) dst(%dma_wait3A_44 : memref<128x128xf32, #tpu.memory_space<vmem_shared>>)
        tpu.yield
      }) : () -> ()
      %barrier3A = arith.constant 0 : index
      tpu.barrier barrier_id(%barrier3A)
      %eq3A = arith.constant 0 : i32
      %eq3A_20 = arith.cmpi eq, %arg0, %eq3A : i32
      %convert_element_type3A = arith.extui %eq3A_20 : i1 to i32
      %cond3A = arith.constant 0 : i32
      %cond3A_21 = arith.cmpi ne, %convert_element_type3A, %cond3A : i32
      scf.if %cond3A_21 {
        %scan3A_38 = arith.constant 0 : i32
        %scan3A_39 = arith.constant 0 : i32
        %scan3A_40 = arith.constant 5 : i32
        %scan3A_41 = arith.addi %scan3A_39, %scan3A_40 : i32
        %scan3A_42 = arith.constant 1 : i32
        scf.for %scan3A_44 = %scan3A_39 to %scan3A_41 step %scan3A_42  : i32 {
          %mul3A_45 = arith.constant 32 : i32
          %mul3A_46 = arith.muli %scan3A_44, %mul3A_45 : i32
          "tpu.region"() ({
            %run_scoped3A_61 = tpu.sem_alloc : memref<!tpu.dma_semaphore, #tpu.memory_space<semaphore_mem>>
            %dma_start3A_62 = arith.constant 0 : i32
            %dma_start3A_63 = tpu.memref_slice %arg4[%arg1, %mul3A_46, %dma_start3A_62] : memref<16x160x128xi32, #tpu.memory_space<hbm>> -> memref<1x32x128xi32, #tpu.memory_space<hbm>>
            %dma_start3A_64 = tpu.memref_squeeze %dma_start3A_63 : memref<1x32x128xi32, #tpu.memory_space<hbm>> -> memref<32x128xi32, #tpu.memory_space<hbm>>
            %dma_start3A_65 = arith.constant 0 : i32
            %dma_start3A_66 = tpu.memref_slice %arg4[%arg1, %mul3A_46, %dma_start3A_65] : memref<16x160x128xi32, #tpu.memory_space<hbm>> -> memref<1x32x128xi32, #tpu.memory_space<hbm>>
            %dma_start3A_67 = tpu.memref_squeeze %dma_start3A_66 : memref<1x32x128xi32, #tpu.memory_space<hbm>> -> memref<32x128xi32, #tpu.memory_space<hbm>>
            tpu.enqueue_dma source(%dma_start3A_67 : memref<32x128xi32, #tpu.memory_space<hbm>>) target(%run_scoped3A : memref<32x128xi32, #tpu.memory_space<vmem>>) target_semaphore(%run_scoped3A_61 : memref<!tpu.dma_semaphore, #tpu.memory_space<semaphore_mem>>)
            %dma_wait3A = arith.constant 0 : i32
            %dma_wait3A_68 = tpu.memref_slice %arg4[%arg1, %mul3A_46, %dma_wait3A] : memref<16x160x128xi32, #tpu.memory_space<hbm>> -> memref<1x32x128xi32, #tpu.memory_space<hbm>>
            %dma_wait3A_69 = tpu.memref_squeeze %dma_wait3A_68 : memref<1x32x128xi32, #tpu.memory_space<hbm>> -> memref<32x128xi32, #tpu.memory_space<hbm>>
            %dma_wait3A_70 = arith.constant 0 : i32
            %dma_wait3A_71 = tpu.memref_slice %arg4[%arg1, %mul3A_46, %dma_wait3A_70] : memref<16x160x128xi32, #tpu.memory_space<hbm>> -> memref<1x32x128xi32, #tpu.memory_space<hbm>>
            %dma_wait3A_72 = tpu.memref_squeeze %dma_wait3A_71 : memref<1x32x128xi32, #tpu.memory_space<hbm>> -> memref<32x128xi32, #tpu.memory_space<hbm>>
            tpu.wait_dma2 semaphore(%run_scoped3A_61 : memref<!tpu.dma_semaphore, #tpu.memory_space<semaphore_mem>>) src(%dma_wait3A_72 : memref<32x128xi32, #tpu.memory_space<hbm>>) dst(%run_scoped3A : memref<32x128xi32, #tpu.memory_space<vmem>>)
            tpu.yield
          }) : () -> ()
          %mul3A_47 = arith.constant 32 : i32
          %mul3A_48 = arith.muli %scan3A_44, %mul3A_47 : i32
          "tpu.region"() ({
            %run_scoped3A_61 = tpu.sem_alloc : memref<!tpu.dma_semaphore, #tpu.memory_space<semaphore_mem>>
            %dma_start3A_62 = arith.constant 0 : i32
            %dma_start3A_63 = tpu.memref_slice %arg5[%arg1, %mul3A_48, %dma_start3A_62] : memref<16x160x128xi32, #tpu.memory_space<hbm>> -> memref<1x32x128xi32, #tpu.memory_space<hbm>>
            %dma_start3A_64 = tpu.memref_squeeze %dma_start3A_63 : memref<1x32x128xi32, #tpu.memory_space<hbm>> -> memref<32x128xi32, #tpu.memory_space<hbm>>
            %dma_start3A_65 = arith.constant 0 : i32
            %dma_start3A_66 = tpu.memref_slice %arg5[%arg1, %mul3A_48, %dma_start3A_65] : memref<16x160x128xi32, #tpu.memory_space<hbm>> -> memref<1x32x128xi32, #tpu.memory_space<hbm>>
            %dma_start3A_67 = tpu.memref_squeeze %dma_start3A_66 : memref<1x32x128xi32, #tpu.memory_space<hbm>> -> memref<32x128xi32, #tpu.memory_space<hbm>>
            tpu.enqueue_dma source(%dma_start3A_67 : memref<32x128xi32, #tpu.memory_space<hbm>>) target(%run_scoped3A_0 : memref<32x128xi32, #tpu.memory_space<vmem>>) target_semaphore(%run_scoped3A_61 : memref<!tpu.dma_semaphore, #tpu.memory_space<semaphore_mem>>)
            %dma_wait3A = arith.constant 0 : i32
            %dma_wait3A_68 = tpu.memref_slice %arg5[%arg1, %mul3A_48, %dma_wait3A] : memref<16x160x128xi32, #tpu.memory_space<hbm>> -> memref<1x32x128xi32, #tpu.memory_space<hbm>>
            %dma_wait3A_69 = tpu.memref_squeeze %dma_wait3A_68 : memref<1x32x128xi32, #tpu.memory_space<hbm>> -> memref<32x128xi32, #tpu.memory_space<hbm>>
            %dma_wait3A_70 = arith.constant 0 : i32
            %dma_wait3A_71 = tpu.memref_slice %arg5[%arg1, %mul3A_48, %dma_wait3A_70] : memref<16x160x128xi32, #tpu.memory_space<hbm>> -> memref<1x32x128xi32, #tpu.memory_space<hbm>>
            %dma_wait3A_72 = tpu.memref_squeeze %dma_wait3A_71 : memref<1x32x128xi32, #tpu.memory_space<hbm>> -> memref<32x128xi32, #tpu.memory_space<hbm>>
            tpu.wait_dma2 semaphore(%run_scoped3A_61 : memref<!tpu.dma_semaphore, #tpu.memory_space<semaphore_mem>>) src(%dma_wait3A_72 : memref<32x128xi32, #tpu.memory_space<hbm>>) dst(%run_scoped3A_0 : memref<32x128xi32, #tpu.memory_space<vmem>>)
            tpu.yield
          }) : () -> ()
          %dma_start3A = arith.constant 0 : i32
          %dma_start3A_49 = arith.constant 0 : i32
          %dma_start3A_50 = tpu.memref_slice %run_scoped3A[%dma_start3A, %dma_start3A_49] : memref<32x128xi32, #tpu.memory_space<vmem>> -> memref<1x128xi32, #tpu.memory_space<vmem>>
          %dma_start3A_51 = tpu.memref_squeeze %dma_start3A_50 : memref<1x128xi32, #tpu.memory_space<vmem>> -> memref<128xi32, #tpu.memory_space<vmem>>
          %dma_start3A_52 = arith.constant 0 : i32
          %dma_start3A_53 = arith.constant 0 : i32
          %dma_start3A_54 = tpu.memref_slice %arg2[%dma_start3A_52, %dma_start3A_53] : memref<10000x128xf32, #tpu.memory_space<hbm>> -> memref<10000x128xf32, #tpu.memory_space<hbm>>
          tpu.enqueue_indirect_dma source(%dma_start3A_54 : memref<10000x128xf32, #tpu.memory_space<hbm>>) target(%run_scoped3A_1 : memref<128x128xf32, #tpu.memory_space<vmem>>) offsets(%dma_start3A_51 : memref<128xi32, #tpu.memory_space<vmem>>) semaphore(%run_scoped3A_3 : memref<!tpu.dma_semaphore, #tpu.memory_space<semaphore_mem>>)
          %scan3A_55 = arith.constant 0 : i32
          %scan3A_56 = arith.constant 0 : i32
          %scan3A_57 = arith.constant 16 : i32
          %scan3A_58 = arith.addi %scan3A_56, %scan3A_57 : i32
          %scan3A_59 = arith.constant 1 : i32
          scf.for %scan3A_61 = %scan3A_56 to %scan3A_58 step %scan3A_59  : i32 {
            %mul3A_62 = arith.constant 2 : i32
            %mul3A_63 = arith.muli %mul3A_62, %scan3A_61 : i32
            %add3A_64 = arith.constant 1 : i32
            %add3A_65 = arith.addi %mul3A_63, %add3A_64 : i32
            %dma_start3A_66 = arith.constant 0 : i32
            %dma_start3A_67 = tpu.memref_slice %run_scoped3A[%add3A_65, %dma_start3A_66] : memref<32x128xi32, #tpu.memory_space<vmem>> -> memref<1x128xi32, #tpu.memory_space<vmem>>
            %dma_start3A_68 = tpu.memref_squeeze %dma_start3A_67 : memref<1x128xi32, #tpu.memory_space<vmem>> -> memref<128xi32, #tpu.memory_space<vmem>>
            %dma_start3A_69 = arith.constant 0 : i32
            %dma_start3A_70 = arith.constant 0 : i32
            %dma_start3A_71 = tpu.memref_slice %arg2[%dma_start3A_69, %dma_start3A_70] : memref<10000x128xf32, #tpu.memory_space<hbm>> -> memref<10000x128xf32, #tpu.memory_space<hbm>>
            tpu.enqueue_indirect_dma source(%dma_start3A_71 : memref<10000x128xf32, #tpu.memory_space<hbm>>) target(%run_scoped3A_2 : memref<128x128xf32, #tpu.memory_space<vmem>>) offsets(%dma_start3A_68 : memref<128xi32, #tpu.memory_space<vmem>>) semaphore(%run_scoped3A_4 : memref<!tpu.dma_semaphore, #tpu.memory_space<semaphore_mem>>)
            %dma_wait3A = arith.constant 0 : i32
            %dma_wait3A_72 = tpu.memref_slice %run_scoped3A[%mul3A_63, %dma_wait3A] : memref<32x128xi32, #tpu.memory_space<vmem>> -> memref<1x128xi32, #tpu.memory_space<vmem>>
            %dma_wait3A_73 = tpu.memref_squeeze %dma_wait3A_72 : memref<1x128xi32, #tpu.memory_space<vmem>> -> memref<128xi32, #tpu.memory_space<vmem>>
            %dma_wait3A_74 = arith.constant 0 : i32
            %dma_wait3A_75 = arith.constant 0 : i32
            %dma_wait3A_76 = tpu.memref_slice %arg2[%dma_wait3A_74, %dma_wait3A_75] : memref<10000x128xf32, #tpu.memory_space<hbm>> -> memref<10000x128xf32, #tpu.memory_space<hbm>>
            tpu.wait_indirect_dma semaphore(%run_scoped3A_3 : memref<!tpu.dma_semaphore, #tpu.memory_space<semaphore_mem>>) src(%dma_wait3A_76 : memref<10000x128xf32, #tpu.memory_space<hbm>>) dst(%run_scoped3A_1 : memref<128x128xf32, #tpu.memory_space<vmem>>)
            "tpu.region"() ({
              %run_scoped3A_89 = tpu.sem_alloc : memref<!tpu.dma_semaphore, #tpu.memory_space<semaphore_mem>>
              %dma_start3A_90 = arith.constant 0 : i32
              %dma_start3A_91 = tpu.memref_slice %run_scoped3A_0[%mul3A_63, %dma_start3A_90] : memref<32x128xi32, #tpu.memory_space<vmem>> -> memref<1x128xi32, #tpu.memory_space<vmem>>
              %dma_start3A_92 = tpu.memref_squeeze %dma_start3A_91 : memref<1x128xi32, #tpu.memory_space<vmem>> -> memref<128xi32, #tpu.memory_space<vmem>>
              %dma_start3A_93 = arith.constant 0 : i32
              %dma_start3A_94 = arith.constant 0 : i32
              %dma_start3A_95 = tpu.memref_slice %arg7[%dma_start3A_93, %dma_start3A_94] : memref<10240x128xf32, #tpu.memory_space<vmem_shared>> -> memref<10240x128xf32, #tpu.memory_space<vmem_shared>>
              tpu.enqueue_indirect_dma source(%run_scoped3A_1 : memref<128x128xf32, #tpu.memory_space<vmem>>) target(%dma_start3A_95 : memref<10240x128xf32, #tpu.memory_space<vmem_shared>>) offsets(%dma_start3A_92 : memref<128xi32, #tpu.memory_space<vmem>>) semaphore(%run_scoped3A_89 : memref<!tpu.dma_semaphore, #tpu.memory_space<semaphore_mem>>) {add = true}
              %dma_wait3A_96 = arith.constant 0 : i32
              %dma_wait3A_97 = tpu.memref_slice %run_scoped3A_0[%mul3A_63, %dma_wait3A_96] : memref<32x128xi32, #tpu.memory_space<vmem>> -> memref<1x128xi32, #tpu.memory_space<vmem>>
              %dma_wait3A_98 = tpu.memref_squeeze %dma_wait3A_97 : memref<1x128xi32, #tpu.memory_space<vmem>> -> memref<128xi32, #tpu.memory_space<vmem>>
              %dma_wait3A_99 = arith.constant 0 : i32
              %dma_wait3A_100 = arith.constant 0 : i32
              %dma_wait3A_101 = tpu.memref_slice %arg7[%dma_wait3A_99, %dma_wait3A_100] : memref<10240x128xf32, #tpu.memory_space<vmem_shared>> -> memref<10240x128xf32, #tpu.memory_space<vmem_shared>>
              tpu.wait_indirect_dma semaphore(%run_scoped3A_89 : memref<!tpu.dma_semaphore, #tpu.memory_space<semaphore_mem>>) src(%run_scoped3A_1 : memref<128x128xf32, #tpu.memory_space<vmem>>) dst(%dma_wait3A_101 : memref<10240x128xf32, #tpu.memory_space<vmem_shared>>)
              tpu.yield
            }) : () -> ()
            %add3A_77 = arith.constant 1 : i32
            %add3A_78 = arith.addi %add3A_65, %add3A_77 : i32
            %lt3A = arith.constant 32 : i32
            %lt3A_79 = arith.cmpi slt, %add3A_78, %lt3A : i32
            %convert_element_type3A_80 = arith.extui %lt3A_79 : i1 to i32
            %cond3A_81 = arith.constant 0 : i32
            %cond3A_82 = arith.cmpi ne, %convert_element_type3A_80, %cond3A_81 : i32
            scf.if %cond3A_82 {
              %add3A_89 = arith.constant 1 : i32
              %add3A_90 = arith.addi %add3A_65, %add3A_89 : i32
              %dma_start3A_91 = arith.constant 0 : i32
              %dma_start3A_92 = tpu.memref_slice %run_scoped3A[%add3A_90, %dma_start3A_91] : memref<32x128xi32, #tpu.memory_space<vmem>> -> memref<1x128xi32, #tpu.memory_space<vmem>>
              %dma_start3A_93 = tpu.memref_squeeze %dma_start3A_92 : memref<1x128xi32, #tpu.memory_space<vmem>> -> memref<128xi32, #tpu.memory_space<vmem>>
              %dma_start3A_94 = arith.constant 0 : i32
              %dma_start3A_95 = arith.constant 0 : i32
              %dma_start3A_96 = tpu.memref_slice %arg2[%dma_start3A_94, %dma_start3A_95] : memref<10000x128xf32, #tpu.memory_space<hbm>> -> memref<10000x128xf32, #tpu.memory_space<hbm>>
              tpu.enqueue_indirect_dma source(%dma_start3A_96 : memref<10000x128xf32, #tpu.memory_space<hbm>>) target(%run_scoped3A_1 : memref<128x128xf32, #tpu.memory_space<vmem>>) offsets(%dma_start3A_93 : memref<128xi32, #tpu.memory_space<vmem>>) semaphore(%run_scoped3A_3 : memref<!tpu.dma_semaphore, #tpu.memory_space<semaphore_mem>>)
            } else {
            }
            %dma_wait3A_83 = arith.constant 0 : i32
            %dma_wait3A_84 = tpu.memref_slice %run_scoped3A[%add3A_65, %dma_wait3A_83] : memref<32x128xi32, #tpu.memory_space<vmem>> -> memref<1x128xi32, #tpu.memory_space<vmem>>
            %dma_wait3A_85 = tpu.memref_squeeze %dma_wait3A_84 : memref<1x128xi32, #tpu.memory_space<vmem>> -> memref<128xi32, #tpu.memory_space<vmem>>
            %dma_wait3A_86 = arith.constant 0 : i32
            %dma_wait3A_87 = arith.constant 0 : i32
            %dma_wait3A_88 = tpu.memref_slice %arg2[%dma_wait3A_86, %dma_wait3A_87] : memref<10000x128xf32, #tpu.memory_space<hbm>> -> memref<10000x128xf32, #tpu.memory_space<hbm>>
            tpu.wait_indirect_dma semaphore(%run_scoped3A_4 : memref<!tpu.dma_semaphore, #tpu.memory_space<semaphore_mem>>) src(%dma_wait3A_88 : memref<10000x128xf32, #tpu.memory_space<hbm>>) dst(%run_scoped3A_2 : memref<128x128xf32, #tpu.memory_space<vmem>>)
            "tpu.region"() ({
              %run_scoped3A_89 = tpu.sem_alloc : memref<!tpu.dma_semaphore, #tpu.memory_space<semaphore_mem>>
              %dma_start3A_90 = arith.constant 0 : i32
              %dma_start3A_91 = tpu.memref_slice %run_scoped3A_0[%add3A_65, %dma_start3A_90] : memref<32x128xi32, #tpu.memory_space<vmem>> -> memref<1x128xi32, #tpu.memory_space<vmem>>
              %dma_start3A_92 = tpu.memref_squeeze %dma_start3A_91 : memref<1x128xi32, #tpu.memory_space<vmem>> -> memref<128xi32, #tpu.memory_space<vmem>>
              %dma_start3A_93 = arith.constant 0 : i32
              %dma_start3A_94 = arith.constant 0 : i32
              %dma_start3A_95 = tpu.memref_slice %arg7[%dma_start3A_93, %dma_start3A_94] : memref<10240x128xf32, #tpu.memory_space<vmem_shared>> -> memref<10240x128xf32, #tpu.memory_space<vmem_shared>>
              tpu.enqueue_indirect_dma source(%run_scoped3A_2 : memref<128x128xf32, #tpu.memory_space<vmem>>) target(%dma_start3A_95 : memref<10240x128xf32, #tpu.memory_space<vmem_shared>>) offsets(%dma_start3A_92 : memref<128xi32, #tpu.memory_space<vmem>>) semaphore(%run_scoped3A_89 : memref<!tpu.dma_semaphore, #tpu.memory_space<semaphore_mem>>) {add = true}
              %dma_wait3A_96 = arith.constant 0 : i32
              %dma_wait3A_97 = tpu.memref_slice %run_scoped3A_0[%add3A_65, %dma_wait3A_96] : memref<32x128xi32, #tpu.memory_space<vmem>> -> memref<1x128xi32, #tpu.memory_space<vmem>>
              %dma_wait3A_98 = tpu.memref_squeeze %dma_wait3A_97 : memref<1x128xi32, #tpu.memory_space<vmem>> -> memref<128xi32, #tpu.memory_space<vmem>>
              %dma_wait3A_99 = arith.constant 0 : i32
              %dma_wait3A_100 = arith.constant 0 : i32
              %dma_wait3A_101 = tpu.memref_slice %arg7[%dma_wait3A_99, %dma_wait3A_100] : memref<10240x128xf32, #tpu.memory_space<vmem_shared>> -> memref<10240x128xf32, #tpu.memory_space<vmem_shared>>
              tpu.wait_indirect_dma semaphore(%run_scoped3A_89 : memref<!tpu.dma_semaphore, #tpu.memory_space<semaphore_mem>>) src(%run_scoped3A_2 : memref<128x128xf32, #tpu.memory_space<vmem>>) dst(%dma_wait3A_101 : memref<10240x128xf32, #tpu.memory_space<vmem_shared>>)
              tpu.yield
            }) : () -> ()
          }
          %scan3A_60 = arith.constant 16 : i32
        }
        %scan3A_43 = arith.constant 5 : i32
      } else {
      }
      %eq3A_22 = arith.constant 1 : i32
      %eq3A_23 = arith.cmpi eq, %arg0, %eq3A_22 : i32
      %convert_element_type3A_24 = arith.extui %eq3A_23 : i1 to i32
      %cond3A_25 = arith.constant 0 : i32
      %cond3A_26 = arith.cmpi ne, %convert_element_type3A_24, %cond3A_25 : i32
      scf.if %cond3A_26 {
        %scan3A_38 = arith.constant 0 : i32
        %scan3A_39 = arith.constant 0 : i32
        %scan3A_40 = arith.constant 5 : i32
        %scan3A_41 = arith.addi %scan3A_39, %scan3A_40 : i32
        %scan3A_42 = arith.constant 1 : i32
        scf.for %scan3A_44 = %scan3A_39 to %scan3A_41 step %scan3A_42  : i32 {
          %mul3A_45 = arith.constant 32 : i32
          %mul3A_46 = arith.muli %scan3A_44, %mul3A_45 : i32
          "tpu.region"() ({
            %run_scoped3A_61 = tpu.sem_alloc : memref<!tpu.dma_semaphore, #tpu.memory_space<semaphore_mem>>
            %dma_start3A_62 = arith.constant 0 : i32
            %dma_start3A_63 = tpu.memref_slice %arg4[%arg1, %mul3A_46, %dma_start3A_62] : memref<16x160x128xi32, #tpu.memory_space<hbm>> -> memref<1x32x128xi32, #tpu.memory_space<hbm>>
            %dma_start3A_64 = tpu.memref_squeeze %dma_start3A_63 : memref<1x32x128xi32, #tpu.memory_space<hbm>> -> memref<32x128xi32, #tpu.memory_space<hbm>>
            %dma_start3A_65 = arith.constant 0 : i32
            %dma_start3A_66 = tpu.memref_slice %arg4[%arg1, %mul3A_46, %dma_start3A_65] : memref<16x160x128xi32, #tpu.memory_space<hbm>> -> memref<1x32x128xi32, #tpu.memory_space<hbm>>
            %dma_start3A_67 = tpu.memref_squeeze %dma_start3A_66 : memref<1x32x128xi32, #tpu.memory_space<hbm>> -> memref<32x128xi32, #tpu.memory_space<hbm>>
            tpu.enqueue_dma source(%dma_start3A_67 : memref<32x128xi32, #tpu.memory_space<hbm>>) target(%run_scoped3A : memref<32x128xi32, #tpu.memory_space<vmem>>) target_semaphore(%run_scoped3A_61 : memref<!tpu.dma_semaphore, #tpu.memory_space<semaphore_mem>>)
            %dma_wait3A = arith.constant 0 : i32
            %dma_wait3A_68 = tpu.memref_slice %arg4[%arg1, %mul3A_46, %dma_wait3A] : memref<16x160x128xi32, #tpu.memory_space<hbm>> -> memref<1x32x128xi32, #tpu.memory_space<hbm>>
            %dma_wait3A_69 = tpu.memref_squeeze %dma_wait3A_68 : memref<1x32x128xi32, #tpu.memory_space<hbm>> -> memref<32x128xi32, #tpu.memory_space<hbm>>
            %dma_wait3A_70 = arith.constant 0 : i32
            %dma_wait3A_71 = tpu.memref_slice %arg4[%arg1, %mul3A_46, %dma_wait3A_70] : memref<16x160x128xi32, #tpu.memory_space<hbm>> -> memref<1x32x128xi32, #tpu.memory_space<hbm>>
            %dma_wait3A_72 = tpu.memref_squeeze %dma_wait3A_71 : memref<1x32x128xi32, #tpu.memory_space<hbm>> -> memref<32x128xi32, #tpu.memory_space<hbm>>
            tpu.wait_dma2 semaphore(%run_scoped3A_61 : memref<!tpu.dma_semaphore, #tpu.memory_space<semaphore_mem>>) src(%dma_wait3A_72 : memref<32x128xi32, #tpu.memory_space<hbm>>) dst(%run_scoped3A : memref<32x128xi32, #tpu.memory_space<vmem>>)
            tpu.yield
          }) : () -> ()
          %mul3A_47 = arith.constant 32 : i32
          %mul3A_48 = arith.muli %scan3A_44, %mul3A_47 : i32
          "tpu.region"() ({
            %run_scoped3A_61 = tpu.sem_alloc : memref<!tpu.dma_semaphore, #tpu.memory_space<semaphore_mem>>
            %dma_start3A_62 = arith.constant 0 : i32
            %dma_start3A_63 = tpu.memref_slice %arg5[%arg1, %mul3A_48, %dma_start3A_62] : memref<16x160x128xi32, #tpu.memory_space<hbm>> -> memref<1x32x128xi32, #tpu.memory_space<hbm>>
            %dma_start3A_64 = tpu.memref_squeeze %dma_start3A_63 : memref<1x32x128xi32, #tpu.memory_space<hbm>> -> memref<32x128xi32, #tpu.memory_space<hbm>>
            %dma_start3A_65 = arith.constant 0 : i32
            %dma_start3A_66 = tpu.memref_slice %arg5[%arg1, %mul3A_48, %dma_start3A_65] : memref<16x160x128xi32, #tpu.memory_space<hbm>> -> memref<1x32x128xi32, #tpu.memory_space<hbm>>
            %dma_start3A_67 = tpu.memref_squeeze %dma_start3A_66 : memref<1x32x128xi32, #tpu.memory_space<hbm>> -> memref<32x128xi32, #tpu.memory_space<hbm>>
            tpu.enqueue_dma source(%dma_start3A_67 : memref<32x128xi32, #tpu.memory_space<hbm>>) target(%run_scoped3A_0 : memref<32x128xi32, #tpu.memory_space<vmem>>) target_semaphore(%run_scoped3A_61 : memref<!tpu.dma_semaphore, #tpu.memory_space<semaphore_mem>>)
            %dma_wait3A = arith.constant 0 : i32
            %dma_wait3A_68 = tpu.memref_slice %arg5[%arg1, %mul3A_48, %dma_wait3A] : memref<16x160x128xi32, #tpu.memory_space<hbm>> -> memref<1x32x128xi32, #tpu.memory_space<hbm>>
            %dma_wait3A_69 = tpu.memref_squeeze %dma_wait3A_68 : memref<1x32x128xi32, #tpu.memory_space<hbm>> -> memref<32x128xi32, #tpu.memory_space<hbm>>
            %dma_wait3A_70 = arith.constant 0 : i32
            %dma_wait3A_71 = tpu.memref_slice %arg5[%arg1, %mul3A_48, %dma_wait3A_70] : memref<16x160x128xi32, #tpu.memory_space<hbm>> -> memref<1x32x128xi32, #tpu.memory_space<hbm>>
            %dma_wait3A_72 = tpu.memref_squeeze %dma_wait3A_71 : memref<1x32x128xi32, #tpu.memory_space<hbm>> -> memref<32x128xi32, #tpu.memory_space<hbm>>
            tpu.wait_dma2 semaphore(%run_scoped3A_61 : memref<!tpu.dma_semaphore, #tpu.memory_space<semaphore_mem>>) src(%dma_wait3A_72 : memref<32x128xi32, #tpu.memory_space<hbm>>) dst(%run_scoped3A_0 : memref<32x128xi32, #tpu.memory_space<vmem>>)
            tpu.yield
          }) : () -> ()
          %dma_start3A = arith.constant 0 : i32
          %dma_start3A_49 = arith.constant 0 : i32
          %dma_start3A_50 = tpu.memref_slice %run_scoped3A[%dma_start3A, %dma_start3A_49] : memref<32x128xi32, #tpu.memory_space<vmem>> -> memref<1x128xi32, #tpu.memory_space<vmem>>
          %dma_start3A_51 = tpu.memref_squeeze %dma_start3A_50 : memref<1x128xi32, #tpu.memory_space<vmem>> -> memref<128xi32, #tpu.memory_space<vmem>>
          %dma_start3A_52 = arith.constant 0 : i32
          %dma_start3A_53 = arith.constant 0 : i32
          %dma_start3A_54 = tpu.memref_slice %arg3[%dma_start3A_52, %dma_start3A_53] : memref<10000x128xf32, #tpu.memory_space<hbm>> -> memref<10000x128xf32, #tpu.memory_space<hbm>>
          tpu.enqueue_indirect_dma source(%dma_start3A_54 : memref<10000x128xf32, #tpu.memory_space<hbm>>) target(%run_scoped3A_1 : memref<128x128xf32, #tpu.memory_space<vmem>>) offsets(%dma_start3A_51 : memref<128xi32, #tpu.memory_space<vmem>>) semaphore(%run_scoped3A_3 : memref<!tpu.dma_semaphore, #tpu.memory_space<semaphore_mem>>)
          %scan3A_55 = arith.constant 0 : i32
          %scan3A_56 = arith.constant 0 : i32
          %scan3A_57 = arith.constant 16 : i32
          %scan3A_58 = arith.addi %scan3A_56, %scan3A_57 : i32
          %scan3A_59 = arith.constant 1 : i32
          scf.for %scan3A_61 = %scan3A_56 to %scan3A_58 step %scan3A_59  : i32 {
            %mul3A_62 = arith.constant 2 : i32
            %mul3A_63 = arith.muli %mul3A_62, %scan3A_61 : i32
            %add3A_64 = arith.constant 1 : i32
            %add3A_65 = arith.addi %mul3A_63, %add3A_64 : i32
            %dma_start3A_66 = arith.constant 0 : i32
            %dma_start3A_67 = tpu.memref_slice %run_scoped3A[%add3A_65, %dma_start3A_66] : memref<32x128xi32, #tpu.memory_space<vmem>> -> memref<1x128xi32, #tpu.memory_space<vmem>>
            %dma_start3A_68 = tpu.memref_squeeze %dma_start3A_67 : memref<1x128xi32, #tpu.memory_space<vmem>> -> memref<128xi32, #tpu.memory_space<vmem>>
            %dma_start3A_69 = arith.constant 0 : i32
            %dma_start3A_70 = arith.constant 0 : i32
            %dma_start3A_71 = tpu.memref_slice %arg3[%dma_start3A_69, %dma_start3A_70] : memref<10000x128xf32, #tpu.memory_space<hbm>> -> memref<10000x128xf32, #tpu.memory_space<hbm>>
            tpu.enqueue_indirect_dma source(%dma_start3A_71 : memref<10000x128xf32, #tpu.memory_space<hbm>>) target(%run_scoped3A_2 : memref<128x128xf32, #tpu.memory_space<vmem>>) offsets(%dma_start3A_68 : memref<128xi32, #tpu.memory_space<vmem>>) semaphore(%run_scoped3A_4 : memref<!tpu.dma_semaphore, #tpu.memory_space<semaphore_mem>>)
            %dma_wait3A = arith.constant 0 : i32
            %dma_wait3A_72 = tpu.memref_slice %run_scoped3A[%mul3A_63, %dma_wait3A] : memref<32x128xi32, #tpu.memory_space<vmem>> -> memref<1x128xi32, #tpu.memory_space<vmem>>
            %dma_wait3A_73 = tpu.memref_squeeze %dma_wait3A_72 : memref<1x128xi32, #tpu.memory_space<vmem>> -> memref<128xi32, #tpu.memory_space<vmem>>
            %dma_wait3A_74 = arith.constant 0 : i32
            %dma_wait3A_75 = arith.constant 0 : i32
            %dma_wait3A_76 = tpu.memref_slice %arg3[%dma_wait3A_74, %dma_wait3A_75] : memref<10000x128xf32, #tpu.memory_space<hbm>> -> memref<10000x128xf32, #tpu.memory_space<hbm>>
            tpu.wait_indirect_dma semaphore(%run_scoped3A_3 : memref<!tpu.dma_semaphore, #tpu.memory_space<semaphore_mem>>) src(%dma_wait3A_76 : memref<10000x128xf32, #tpu.memory_space<hbm>>) dst(%run_scoped3A_1 : memref<128x128xf32, #tpu.memory_space<vmem>>)
            "tpu.region"() ({
              %run_scoped3A_89 = tpu.sem_alloc : memref<!tpu.dma_semaphore, #tpu.memory_space<semaphore_mem>>
              %dma_start3A_90 = arith.constant 0 : i32
              %dma_start3A_91 = tpu.memref_slice %run_scoped3A_0[%mul3A_63, %dma_start3A_90] : memref<32x128xi32, #tpu.memory_space<vmem>> -> memref<1x128xi32, #tpu.memory_space<vmem>>
              %dma_start3A_92 = tpu.memref_squeeze %dma_start3A_91 : memref<1x128xi32, #tpu.memory_space<vmem>> -> memref<128xi32, #tpu.memory_space<vmem>>
              %dma_start3A_93 = arith.constant 0 : i32
              %dma_start3A_94 = arith.constant 0 : i32
              %dma_start3A_95 = tpu.memref_slice %arg7[%dma_start3A_93, %dma_start3A_94] : memref<10240x128xf32, #tpu.memory_space<vmem_shared>> -> memref<10240x128xf32, #tpu.memory_space<vmem_shared>>
              tpu.enqueue_indirect_dma source(%run_scoped3A_1 : memref<128x128xf32, #tpu.memory_space<vmem>>) target(%dma_start3A_95 : memref<10240x128xf32, #tpu.memory_space<vmem_shared>>) offsets(%dma_start3A_92 : memref<128xi32, #tpu.memory_space<vmem>>) semaphore(%run_scoped3A_89 : memref<!tpu.dma_semaphore, #tpu.memory_space<semaphore_mem>>) {add = true}
              %dma_wait3A_96 = arith.constant 0 : i32
              %dma_wait3A_97 = tpu.memref_slice %run_scoped3A_0[%mul3A_63, %dma_wait3A_96] : memref<32x128xi32, #tpu.memory_space<vmem>> -> memref<1x128xi32, #tpu.memory_space<vmem>>
              %dma_wait3A_98 = tpu.memref_squeeze %dma_wait3A_97 : memref<1x128xi32, #tpu.memory_space<vmem>> -> memref<128xi32, #tpu.memory_space<vmem>>
              %dma_wait3A_99 = arith.constant 0 : i32
              %dma_wait3A_100 = arith.constant 0 : i32
              %dma_wait3A_101 = tpu.memref_slice %arg7[%dma_wait3A_99, %dma_wait3A_100] : memref<10240x128xf32, #tpu.memory_space<vmem_shared>> -> memref<10240x128xf32, #tpu.memory_space<vmem_shared>>
              tpu.wait_indirect_dma semaphore(%run_scoped3A_89 : memref<!tpu.dma_semaphore, #tpu.memory_space<semaphore_mem>>) src(%run_scoped3A_1 : memref<128x128xf32, #tpu.memory_space<vmem>>) dst(%dma_wait3A_101 : memref<10240x128xf32, #tpu.memory_space<vmem_shared>>)
              tpu.yield
            }) : () -> ()
            %add3A_77 = arith.constant 1 : i32
            %add3A_78 = arith.addi %add3A_65, %add3A_77 : i32
            %lt3A = arith.constant 32 : i32
            %lt3A_79 = arith.cmpi slt, %add3A_78, %lt3A : i32
            %convert_element_type3A_80 = arith.extui %lt3A_79 : i1 to i32
            %cond3A_81 = arith.constant 0 : i32
            %cond3A_82 = arith.cmpi ne, %convert_element_type3A_80, %cond3A_81 : i32
            scf.if %cond3A_82 {
              %add3A_89 = arith.constant 1 : i32
              %add3A_90 = arith.addi %add3A_65, %add3A_89 : i32
              %dma_start3A_91 = arith.constant 0 : i32
              %dma_start3A_92 = tpu.memref_slice %run_scoped3A[%add3A_90, %dma_start3A_91] : memref<32x128xi32, #tpu.memory_space<vmem>> -> memref<1x128xi32, #tpu.memory_space<vmem>>
              %dma_start3A_93 = tpu.memref_squeeze %dma_start3A_92 : memref<1x128xi32, #tpu.memory_space<vmem>> -> memref<128xi32, #tpu.memory_space<vmem>>
              %dma_start3A_94 = arith.constant 0 : i32
              %dma_start3A_95 = arith.constant 0 : i32
              %dma_start3A_96 = tpu.memref_slice %arg3[%dma_start3A_94, %dma_start3A_95] : memref<10000x128xf32, #tpu.memory_space<hbm>> -> memref<10000x128xf32, #tpu.memory_space<hbm>>
              tpu.enqueue_indirect_dma source(%dma_start3A_96 : memref<10000x128xf32, #tpu.memory_space<hbm>>) target(%run_scoped3A_1 : memref<128x128xf32, #tpu.memory_space<vmem>>) offsets(%dma_start3A_93 : memref<128xi32, #tpu.memory_space<vmem>>) semaphore(%run_scoped3A_3 : memref<!tpu.dma_semaphore, #tpu.memory_space<semaphore_mem>>)
            } else {
            }
            %dma_wait3A_83 = arith.constant 0 : i32
            %dma_wait3A_84 = tpu.memref_slice %run_scoped3A[%add3A_65, %dma_wait3A_83] : memref<32x128xi32, #tpu.memory_space<vmem>> -> memref<1x128xi32, #tpu.memory_space<vmem>>
            %dma_wait3A_85 = tpu.memref_squeeze %dma_wait3A_84 : memref<1x128xi32, #tpu.memory_space<vmem>> -> memref<128xi32, #tpu.memory_space<vmem>>
            %dma_wait3A_86 = arith.constant 0 : i32
            %dma_wait3A_87 = arith.constant 0 : i32
            %dma_wait3A_88 = tpu.memref_slice %arg3[%dma_wait3A_86, %dma_wait3A_87] : memref<10000x128xf32, #tpu.memory_space<hbm>> -> memref<10000x128xf32, #tpu.memory_space<hbm>>
            tpu.wait_indirect_dma semaphore(%run_scoped3A_4 : memref<!tpu.dma_semaphore, #tpu.memory_space<semaphore_mem>>) src(%dma_wait3A_88 : memref<10000x128xf32, #tpu.memory_space<hbm>>) dst(%run_scoped3A_2 : memref<128x128xf32, #tpu.memory_space<vmem>>)
            "tpu.region"() ({
              %run_scoped3A_89 = tpu.sem_alloc : memref<!tpu.dma_semaphore, #tpu.memory_space<semaphore_mem>>
              %dma_start3A_90 = arith.constant 0 : i32
              %dma_start3A_91 = tpu.memref_slice %run_scoped3A_0[%add3A_65, %dma_start3A_90] : memref<32x128xi32, #tpu.memory_space<vmem>> -> memref<1x128xi32, #tpu.memory_space<vmem>>
              %dma_start3A_92 = tpu.memref_squeeze %dma_start3A_91 : memref<1x128xi32, #tpu.memory_space<vmem>> -> memref<128xi32, #tpu.memory_space<vmem>>
              %dma_start3A_93 = arith.constant 0 : i32
              %dma_start3A_94 = arith.constant 0 : i32
              %dma_start3A_95 = tpu.memref_slice %arg7[%dma_start3A_93, %dma_start3A_94] : memref<10240x128xf32, #tpu.memory_space<vmem_shared>> -> memref<10240x128xf32, #tpu.memory_space<vmem_shared>>
              tpu.enqueue_indirect_dma source(%run_scoped3A_2 : memref<128x128xf32, #tpu.memory_space<vmem>>) target(%dma_start3A_95 : memref<10240x128xf32, #tpu.memory_space<vmem_shared>>) offsets(%dma_start3A_92 : memref<128xi32, #tpu.memory_space<vmem>>) semaphore(%run_scoped3A_89 : memref<!tpu.dma_semaphore, #tpu.memory_space<semaphore_mem>>) {add = true}
              %dma_wait3A_96 = arith.constant 0 : i32
              %dma_wait3A_97 = tpu.memref_slice %run_scoped3A_0[%add3A_65, %dma_wait3A_96] : memref<32x128xi32, #tpu.memory_space<vmem>> -> memref<1x128xi32, #tpu.memory_space<vmem>>
              %dma_wait3A_98 = tpu.memref_squeeze %dma_wait3A_97 : memref<1x128xi32, #tpu.memory_space<vmem>> -> memref<128xi32, #tpu.memory_space<vmem>>
              %dma_wait3A_99 = arith.constant 0 : i32
              %dma_wait3A_100 = arith.constant 0 : i32
              %dma_wait3A_101 = tpu.memref_slice %arg7[%dma_wait3A_99, %dma_wait3A_100] : memref<10240x128xf32, #tpu.memory_space<vmem_shared>> -> memref<10240x128xf32, #tpu.memory_space<vmem_shared>>
              tpu.wait_indirect_dma semaphore(%run_scoped3A_89 : memref<!tpu.dma_semaphore, #tpu.memory_space<semaphore_mem>>) src(%run_scoped3A_2 : memref<128x128xf32, #tpu.memory_space<vmem>>) dst(%dma_wait3A_101 : memref<10240x128xf32, #tpu.memory_space<vmem_shared>>)
              tpu.yield
            }) : () -> ()
          }
          %scan3A_60 = arith.constant 16 : i32
        }
        %scan3A_43 = arith.constant 5 : i32
      } else {
      }
      %barrier3A_27 = arith.constant 0 : index
      tpu.barrier barrier_id(%barrier3A_27)
      %add3A_28 = arith.constant 0 : i32
      %add3A_29 = arith.addi %mul3A_5, %add3A_28 : i32
      "tpu.region"() ({
        %run_scoped3A_38 = tpu.sem_alloc : memref<!tpu.dma_semaphore, #tpu.memory_space<semaphore_mem>>
        %dma_start3A = arith.constant 0 : i32
        %dma_start3A_39 = tpu.memref_slice %arg7[%add3A_29, %dma_start3A] : memref<10240x128xf32, #tpu.memory_space<vmem_shared>> -> memref<128x128xf32, #tpu.memory_space<vmem_shared>>
        %dma_start3A_40 = arith.constant 0 : i32
        %dma_start3A_41 = tpu.memref_slice %arg7[%add3A_29, %dma_start3A_40] : memref<10240x128xf32, #tpu.memory_space<vmem_shared>> -> memref<128x128xf32, #tpu.memory_space<vmem_shared>>
        tpu.enqueue_dma source(%dma_start3A_41 : memref<128x128xf32, #tpu.memory_space<vmem_shared>>) target(%run_scoped3A_1 : memref<128x128xf32, #tpu.memory_space<vmem>>) target_semaphore(%run_scoped3A_38 : memref<!tpu.dma_semaphore, #tpu.memory_space<semaphore_mem>>)
        %dma_wait3A = arith.constant 0 : i32
        %dma_wait3A_42 = tpu.memref_slice %arg7[%add3A_29, %dma_wait3A] : memref<10240x128xf32, #tpu.memory_space<vmem_shared>> -> memref<128x128xf32, #tpu.memory_space<vmem_shared>>
        %dma_wait3A_43 = arith.constant 0 : i32
        %dma_wait3A_44 = tpu.memref_slice %arg7[%add3A_29, %dma_wait3A_43] : memref<10240x128xf32, #tpu.memory_space<vmem_shared>> -> memref<128x128xf32, #tpu.memory_space<vmem_shared>>
        tpu.wait_dma2 semaphore(%run_scoped3A_38 : memref<!tpu.dma_semaphore, #tpu.memory_space<semaphore_mem>>) src(%dma_wait3A_44 : memref<128x128xf32, #tpu.memory_space<vmem_shared>>) dst(%run_scoped3A_1 : memref<128x128xf32, #tpu.memory_space<vmem>>)
        tpu.yield
      }) : () -> ()
      "tpu.region"() ({
        %run_scoped3A_38 = tpu.sem_alloc : memref<!tpu.dma_semaphore, #tpu.memory_space<semaphore_mem>>
        %dma_start3A = arith.constant 0 : i32
        %dma_start3A_39 = tpu.memref_slice %arg6[%arg0, %add3A_29, %dma_start3A] : memref<2x10240x128xf32, #tpu.memory_space<hbm>> -> memref<1x128x128xf32, #tpu.memory_space<hbm>>
        %dma_start3A_40 = tpu.memref_squeeze %dma_start3A_39 : memref<1x128x128xf32, #tpu.memory_space<hbm>> -> memref<128x128xf32, #tpu.memory_space<hbm>>
        %dma_start3A_41 = arith.constant 0 : i32
        %dma_start3A_42 = tpu.memref_slice %arg6[%arg0, %add3A_29, %dma_start3A_41] : memref<2x10240x128xf32, #tpu.memory_space<hbm>> -> memref<1x128x128xf32, #tpu.memory_space<hbm>>
        %dma_start3A_43 = tpu.memref_squeeze %dma_start3A_42 : memref<1x128x128xf32, #tpu.memory_space<hbm>> -> memref<128x128xf32, #tpu.memory_space<hbm>>
        tpu.enqueue_dma source(%run_scoped3A_1 : memref<128x128xf32, #tpu.memory_space<vmem>>) target(%dma_start3A_43 : memref<128x128xf32, #tpu.memory_space<hbm>>) target_semaphore(%run_scoped3A_38 : memref<!tpu.dma_semaphore, #tpu.memory_space<semaphore_mem>>)
        %dma_wait3A = arith.constant 0 : i32
        %dma_wait3A_44 = tpu.memref_slice %arg6[%arg0, %add3A_29, %dma_wait3A] : memref<2x10240x128xf32, #tpu.memory_space<hbm>> -> memref<1x128x128xf32, #tpu.memory_space<hbm>>
        %dma_wait3A_45 = tpu.memref_squeeze %dma_wait3A_44 : memref<1x128x128xf32, #tpu.memory_space<hbm>> -> memref<128x128xf32, #tpu.memory_space<hbm>>
        %dma_wait3A_46 = arith.constant 0 : i32
        %dma_wait3A_47 = tpu.memref_slice %arg6[%arg0, %add3A_29, %dma_wait3A_46] : memref<2x10240x128xf32, #tpu.memory_space<hbm>> -> memref<1x128x128xf32, #tpu.memory_space<hbm>>
        %dma_wait3A_48 = tpu.memref_squeeze %dma_wait3A_47 : memref<1x128x128xf32, #tpu.memory_space<hbm>> -> memref<128x128xf32, #tpu.memory_space<hbm>>
        tpu.wait_dma2 semaphore(%run_scoped3A_38 : memref<!tpu.dma_semaphore, #tpu.memory_space<semaphore_mem>>) src(%run_scoped3A_1 : memref<128x128xf32, #tpu.memory_space<vmem>>) dst(%dma_wait3A_48 : memref<128x128xf32, #tpu.memory_space<hbm>>)
        tpu.yield
      }) : () -> ()
      %add3A_30 = arith.constant 128 : i32
      %add3A_31 = arith.addi %mul3A_5, %add3A_30 : i32
      "tpu.region"() ({
        %run_scoped3A_38 = tpu.sem_alloc : memref<!tpu.dma_semaphore, #tpu.memory_space<semaphore_mem>>
        %dma_start3A = arith.constant 0 : i32
        %dma_start3A_39 = tpu.memref_slice %arg7[%add3A_31, %dma_start3A] : memref<10240x128xf32, #tpu.memory_space<vmem_shared>> -> memref<128x128xf32, #tpu.memory_space<vmem_shared>>
        %dma_start3A_40 = arith.constant 0 : i32
        %dma_start3A_41 = tpu.memref_slice %arg7[%add3A_31, %dma_start3A_40] : memref<10240x128xf32, #tpu.memory_space<vmem_shared>> -> memref<128x128xf32, #tpu.memory_space<vmem_shared>>
        tpu.enqueue_dma source(%dma_start3A_41 : memref<128x128xf32, #tpu.memory_space<vmem_shared>>) target(%run_scoped3A_1 : memref<128x128xf32, #tpu.memory_space<vmem>>) target_semaphore(%run_scoped3A_38 : memref<!tpu.dma_semaphore, #tpu.memory_space<semaphore_mem>>)
        %dma_wait3A = arith.constant 0 : i32
        %dma_wait3A_42 = tpu.memref_slice %arg7[%add3A_31, %dma_wait3A] : memref<10240x128xf32, #tpu.memory_space<vmem_shared>> -> memref<128x128xf32, #tpu.memory_space<vmem_shared>>
        %dma_wait3A_43 = arith.constant 0 : i32
        %dma_wait3A_44 = tpu.memref_slice %arg7[%add3A_31, %dma_wait3A_43] : memref<10240x128xf32, #tpu.memory_space<vmem_shared>> -> memref<128x128xf32, #tpu.memory_space<vmem_shared>>
        tpu.wait_dma2 semaphore(%run_scoped3A_38 : memref<!tpu.dma_semaphore, #tpu.memory_space<semaphore_mem>>) src(%dma_wait3A_44 : memref<128x128xf32, #tpu.memory_space<vmem_shared>>) dst(%run_scoped3A_1 : memref<128x128xf32, #tpu.memory_space<vmem>>)
        tpu.yield
      }) : () -> ()
      "tpu.region"() ({
        %run_scoped3A_38 = tpu.sem_alloc : memref<!tpu.dma_semaphore, #tpu.memory_space<semaphore_mem>>
        %dma_start3A = arith.constant 0 : i32
        %dma_start3A_39 = tpu.memref_slice %arg6[%arg0, %add3A_31, %dma_start3A] : memref<2x10240x128xf32, #tpu.memory_space<hbm>> -> memref<1x128x128xf32, #tpu.memory_space<hbm>>
        %dma_start3A_40 = tpu.memref_squeeze %dma_start3A_39 : memref<1x128x128xf32, #tpu.memory_space<hbm>> -> memref<128x128xf32, #tpu.memory_space<hbm>>
        %dma_start3A_41 = arith.constant 0 : i32
        %dma_start3A_42 = tpu.memref_slice %arg6[%arg0, %add3A_31, %dma_start3A_41] : memref<2x10240x128xf32, #tpu.memory_space<hbm>> -> memref<1x128x128xf32, #tpu.memory_space<hbm>>
        %dma_start3A_43 = tpu.memref_squeeze %dma_start3A_42 : memref<1x128x128xf32, #tpu.memory_space<hbm>> -> memref<128x128xf32, #tpu.memory_space<hbm>>
        tpu.enqueue_dma source(%run_scoped3A_1 : memref<128x128xf32, #tpu.memory_space<vmem>>) target(%dma_start3A_43 : memref<128x128xf32, #tpu.memory_space<hbm>>) target_semaphore(%run_scoped3A_38 : memref<!tpu.dma_semaphore, #tpu.memory_space<semaphore_mem>>)
        %dma_wait3A = arith.constant 0 : i32
        %dma_wait3A_44 = tpu.memref_slice %arg6[%arg0, %add3A_31, %dma_wait3A] : memref<2x10240x128xf32, #tpu.memory_space<hbm>> -> memref<1x128x128xf32, #tpu.memory_space<hbm>>
        %dma_wait3A_45 = tpu.memref_squeeze %dma_wait3A_44 : memref<1x128x128xf32, #tpu.memory_space<hbm>> -> memref<128x128xf32, #tpu.memory_space<hbm>>
        %dma_wait3A_46 = arith.constant 0 : i32
        %dma_wait3A_47 = tpu.memref_slice %arg6[%arg0, %add3A_31, %dma_wait3A_46] : memref<2x10240x128xf32, #tpu.memory_space<hbm>> -> memref<1x128x128xf32, #tpu.memory_space<hbm>>
        %dma_wait3A_48 = tpu.memref_squeeze %dma_wait3A_47 : memref<1x128x128xf32, #tpu.memory_space<hbm>> -> memref<128x128xf32, #tpu.memory_space<hbm>>
        tpu.wait_dma2 semaphore(%run_scoped3A_38 : memref<!tpu.dma_semaphore, #tpu.memory_space<semaphore_mem>>) src(%run_scoped3A_1 : memref<128x128xf32, #tpu.memory_space<vmem>>) dst(%dma_wait3A_48 : memref<128x128xf32, #tpu.memory_space<hbm>>)
        tpu.yield
      }) : () -> ()
      %add3A_32 = arith.constant 256 : i32
      %add3A_33 = arith.addi %mul3A_5, %add3A_32 : i32
      "tpu.region"() ({
        %run_scoped3A_38 = tpu.sem_alloc : memref<!tpu.dma_semaphore, #tpu.memory_space<semaphore_mem>>
        %dma_start3A = arith.constant 0 : i32
        %dma_start3A_39 = tpu.memref_slice %arg7[%add3A_33, %dma_start3A] : memref<10240x128xf32, #tpu.memory_space<vmem_shared>> -> memref<128x128xf32, #tpu.memory_space<vmem_shared>>
        %dma_start3A_40 = arith.constant 0 : i32
        %dma_start3A_41 = tpu.memref_slice %arg7[%add3A_33, %dma_start3A_40] : memref<10240x128xf32, #tpu.memory_space<vmem_shared>> -> memref<128x128xf32, #tpu.memory_space<vmem_shared>>
        tpu.enqueue_dma source(%dma_start3A_41 : memref<128x128xf32, #tpu.memory_space<vmem_shared>>) target(%run_scoped3A_1 : memref<128x128xf32, #tpu.memory_space<vmem>>) target_semaphore(%run_scoped3A_38 : memref<!tpu.dma_semaphore, #tpu.memory_space<semaphore_mem>>)
        %dma_wait3A = arith.constant 0 : i32
        %dma_wait3A_42 = tpu.memref_slice %arg7[%add3A_33, %dma_wait3A] : memref<10240x128xf32, #tpu.memory_space<vmem_shared>> -> memref<128x128xf32, #tpu.memory_space<vmem_shared>>
        %dma_wait3A_43 = arith.constant 0 : i32
        %dma_wait3A_44 = tpu.memref_slice %arg7[%add3A_33, %dma_wait3A_43] : memref<10240x128xf32, #tpu.memory_space<vmem_shared>> -> memref<128x128xf32, #tpu.memory_space<vmem_shared>>
        tpu.wait_dma2 semaphore(%run_scoped3A_38 : memref<!tpu.dma_semaphore, #tpu.memory_space<semaphore_mem>>) src(%dma_wait3A_44 : memref<128x128xf32, #tpu.memory_space<vmem_shared>>) dst(%run_scoped3A_1 : memref<128x128xf32, #tpu.memory_space<vmem>>)
        tpu.yield
      }) : () -> ()
      "tpu.region"() ({
        %run_scoped3A_38 = tpu.sem_alloc : memref<!tpu.dma_semaphore, #tpu.memory_space<semaphore_mem>>
        %dma_start3A = arith.constant 0 : i32
        %dma_start3A_39 = tpu.memref_slice %arg6[%arg0, %add3A_33, %dma_start3A] : memref<2x10240x128xf32, #tpu.memory_space<hbm>> -> memref<1x128x128xf32, #tpu.memory_space<hbm>>
        %dma_start3A_40 = tpu.memref_squeeze %dma_start3A_39 : memref<1x128x128xf32, #tpu.memory_space<hbm>> -> memref<128x128xf32, #tpu.memory_space<hbm>>
        %dma_start3A_41 = arith.constant 0 : i32
        %dma_start3A_42 = tpu.memref_slice %arg6[%arg0, %add3A_33, %dma_start3A_41] : memref<2x10240x128xf32, #tpu.memory_space<hbm>> -> memref<1x128x128xf32, #tpu.memory_space<hbm>>
        %dma_start3A_43 = tpu.memref_squeeze %dma_start3A_42 : memref<1x128x128xf32, #tpu.memory_space<hbm>> -> memref<128x128xf32, #tpu.memory_space<hbm>>
        tpu.enqueue_dma source(%run_scoped3A_1 : memref<128x128xf32, #tpu.memory_space<vmem>>) target(%dma_start3A_43 : memref<128x128xf32, #tpu.memory_space<hbm>>) target_semaphore(%run_scoped3A_38 : memref<!tpu.dma_semaphore, #tpu.memory_space<semaphore_mem>>)
        %dma_wait3A = arith.constant 0 : i32
        %dma_wait3A_44 = tpu.memref_slice %arg6[%arg0, %add3A_33, %dma_wait3A] : memref<2x10240x128xf32, #tpu.memory_space<hbm>> -> memref<1x128x128xf32, #tpu.memory_space<hbm>>
        %dma_wait3A_45 = tpu.memref_squeeze %dma_wait3A_44 : memref<1x128x128xf32, #tpu.memory_space<hbm>> -> memref<128x128xf32, #tpu.memory_space<hbm>>
        %dma_wait3A_46 = arith.constant 0 : i32
        %dma_wait3A_47 = tpu.memref_slice %arg6[%arg0, %add3A_33, %dma_wait3A_46] : memref<2x10240x128xf32, #tpu.memory_space<hbm>> -> memref<1x128x128xf32, #tpu.memory_space<hbm>>
        %dma_wait3A_48 = tpu.memref_squeeze %dma_wait3A_47 : memref<1x128x128xf32, #tpu.memory_space<hbm>> -> memref<128x128xf32, #tpu.memory_space<hbm>>
        tpu.wait_dma2 semaphore(%run_scoped3A_38 : memref<!tpu.dma_semaphore, #tpu.memory_space<semaphore_mem>>) src(%run_scoped3A_1 : memref<128x128xf32, #tpu.memory_space<vmem>>) dst(%dma_wait3A_48 : memref<128x128xf32, #tpu.memory_space<hbm>>)
        tpu.yield
      }) : () -> ()
      %add3A_34 = arith.constant 384 : i32
      %add3A_35 = arith.addi %mul3A_5, %add3A_34 : i32
      "tpu.region"() ({
        %run_scoped3A_38 = tpu.sem_alloc : memref<!tpu.dma_semaphore, #tpu.memory_space<semaphore_mem>>
        %dma_start3A = arith.constant 0 : i32
        %dma_start3A_39 = tpu.memref_slice %arg7[%add3A_35, %dma_start3A] : memref<10240x128xf32, #tpu.memory_space<vmem_shared>> -> memref<128x128xf32, #tpu.memory_space<vmem_shared>>
        %dma_start3A_40 = arith.constant 0 : i32
        %dma_start3A_41 = tpu.memref_slice %arg7[%add3A_35, %dma_start3A_40] : memref<10240x128xf32, #tpu.memory_space<vmem_shared>> -> memref<128x128xf32, #tpu.memory_space<vmem_shared>>
        tpu.enqueue_dma source(%dma_start3A_41 : memref<128x128xf32, #tpu.memory_space<vmem_shared>>) target(%run_scoped3A_1 : memref<128x128xf32, #tpu.memory_space<vmem>>) target_semaphore(%run_scoped3A_38 : memref<!tpu.dma_semaphore, #tpu.memory_space<semaphore_mem>>)
        %dma_wait3A = arith.constant 0 : i32
        %dma_wait3A_42 = tpu.memref_slice %arg7[%add3A_35, %dma_wait3A] : memref<10240x128xf32, #tpu.memory_space<vmem_shared>> -> memref<128x128xf32, #tpu.memory_space<vmem_shared>>
        %dma_wait3A_43 = arith.constant 0 : i32
        %dma_wait3A_44 = tpu.memref_slice %arg7[%add3A_35, %dma_wait3A_43] : memref<10240x128xf32, #tpu.memory_space<vmem_shared>> -> memref<128x128xf32, #tpu.memory_space<vmem_shared>>
        tpu.wait_dma2 semaphore(%run_scoped3A_38 : memref<!tpu.dma_semaphore, #tpu.memory_space<semaphore_mem>>) src(%dma_wait3A_44 : memref<128x128xf32, #tpu.memory_space<vmem_shared>>) dst(%run_scoped3A_1 : memref<128x128xf32, #tpu.memory_space<vmem>>)
        tpu.yield
      }) : () -> ()
      "tpu.region"() ({
        %run_scoped3A_38 = tpu.sem_alloc : memref<!tpu.dma_semaphore, #tpu.memory_space<semaphore_mem>>
        %dma_start3A = arith.constant 0 : i32
        %dma_start3A_39 = tpu.memref_slice %arg6[%arg0, %add3A_35, %dma_start3A] : memref<2x10240x128xf32, #tpu.memory_space<hbm>> -> memref<1x128x128xf32, #tpu.memory_space<hbm>>
        %dma_start3A_40 = tpu.memref_squeeze %dma_start3A_39 : memref<1x128x128xf32, #tpu.memory_space<hbm>> -> memref<128x128xf32, #tpu.memory_space<hbm>>
        %dma_start3A_41 = arith.constant 0 : i32
        %dma_start3A_42 = tpu.memref_slice %arg6[%arg0, %add3A_35, %dma_start3A_41] : memref<2x10240x128xf32, #tpu.memory_space<hbm>> -> memref<1x128x128xf32, #tpu.memory_space<hbm>>
        %dma_start3A_43 = tpu.memref_squeeze %dma_start3A_42 : memref<1x128x128xf32, #tpu.memory_space<hbm>> -> memref<128x128xf32, #tpu.memory_space<hbm>>
        tpu.enqueue_dma source(%run_scoped3A_1 : memref<128x128xf32, #tpu.memory_space<vmem>>) target(%dma_start3A_43 : memref<128x128xf32, #tpu.memory_space<hbm>>) target_semaphore(%run_scoped3A_38 : memref<!tpu.dma_semaphore, #tpu.memory_space<semaphore_mem>>)
        %dma_wait3A = arith.constant 0 : i32
        %dma_wait3A_44 = tpu.memref_slice %arg6[%arg0, %add3A_35, %dma_wait3A] : memref<2x10240x128xf32, #tpu.memory_space<hbm>> -> memref<1x128x128xf32, #tpu.memory_space<hbm>>
        %dma_wait3A_45 = tpu.memref_squeeze %dma_wait3A_44 : memref<1x128x128xf32, #tpu.memory_space<hbm>> -> memref<128x128xf32, #tpu.memory_space<hbm>>
        %dma_wait3A_46 = arith.constant 0 : i32
        %dma_wait3A_47 = tpu.memref_slice %arg6[%arg0, %add3A_35, %dma_wait3A_46] : memref<2x10240x128xf32, #tpu.memory_space<hbm>> -> memref<1x128x128xf32, #tpu.memory_space<hbm>>
        %dma_wait3A_48 = tpu.memref_squeeze %dma_wait3A_47 : memref<1x128x128xf32, #tpu.memory_space<hbm>> -> memref<128x128xf32, #tpu.memory_space<hbm>>
        tpu.wait_dma2 semaphore(%run_scoped3A_38 : memref<!tpu.dma_semaphore, #tpu.memory_space<semaphore_mem>>) src(%run_scoped3A_1 : memref<128x128xf32, #tpu.memory_space<vmem>>) dst(%dma_wait3A_48 : memref<128x128xf32, #tpu.memory_space<hbm>>)
        tpu.yield
      }) : () -> ()
      %add3A_36 = arith.constant 512 : i32
      %add3A_37 = arith.addi %mul3A_5, %add3A_36 : i32
      "tpu.region"() ({
        %run_scoped3A_38 = tpu.sem_alloc : memref<!tpu.dma_semaphore, #tpu.memory_space<semaphore_mem>>
        %dma_start3A = arith.constant 0 : i32
        %dma_start3A_39 = tpu.memref_slice %arg7[%add3A_37, %dma_start3A] : memref<10240x128xf32, #tpu.memory_space<vmem_shared>> -> memref<128x128xf32, #tpu.memory_space<vmem_shared>>
        %dma_start3A_40 = arith.constant 0 : i32
        %dma_start3A_41 = tpu.memref_slice %arg7[%add3A_37, %dma_start3A_40] : memref<10240x128xf32, #tpu.memory_space<vmem_shared>> -> memref<128x128xf32, #tpu.memory_space<vmem_shared>>
        tpu.enqueue_dma source(%dma_start3A_41 : memref<128x128xf32, #tpu.memory_space<vmem_shared>>) target(%run_scoped3A_1 : memref<128x128xf32, #tpu.memory_space<vmem>>) target_semaphore(%run_scoped3A_38 : memref<!tpu.dma_semaphore, #tpu.memory_space<semaphore_mem>>)
        %dma_wait3A = arith.constant 0 : i32
        %dma_wait3A_42 = tpu.memref_slice %arg7[%add3A_37, %dma_wait3A] : memref<10240x128xf32, #tpu.memory_space<vmem_shared>> -> memref<128x128xf32, #tpu.memory_space<vmem_shared>>
        %dma_wait3A_43 = arith.constant 0 : i32
        %dma_wait3A_44 = tpu.memref_slice %arg7[%add3A_37, %dma_wait3A_43] : memref<10240x128xf32, #tpu.memory_space<vmem_shared>> -> memref<128x128xf32, #tpu.memory_space<vmem_shared>>
        tpu.wait_dma2 semaphore(%run_scoped3A_38 : memref<!tpu.dma_semaphore, #tpu.memory_space<semaphore_mem>>) src(%dma_wait3A_44 : memref<128x128xf32, #tpu.memory_space<vmem_shared>>) dst(%run_scoped3A_1 : memref<128x128xf32, #tpu.memory_space<vmem>>)
        tpu.yield
      }) : () -> ()
      "tpu.region"() ({
        %run_scoped3A_38 = tpu.sem_alloc : memref<!tpu.dma_semaphore, #tpu.memory_space<semaphore_mem>>
        %dma_start3A = arith.constant 0 : i32
        %dma_start3A_39 = tpu.memref_slice %arg6[%arg0, %add3A_37, %dma_start3A] : memref<2x10240x128xf32, #tpu.memory_space<hbm>> -> memref<1x128x128xf32, #tpu.memory_space<hbm>>
        %dma_start3A_40 = tpu.memref_squeeze %dma_start3A_39 : memref<1x128x128xf32, #tpu.memory_space<hbm>> -> memref<128x128xf32, #tpu.memory_space<hbm>>
        %dma_start3A_41 = arith.constant 0 : i32
        %dma_start3A_42 = tpu.memref_slice %arg6[%arg0, %add3A_37, %dma_start3A_41] : memref<2x10240x128xf32, #tpu.memory_space<hbm>> -> memref<1x128x128xf32, #tpu.memory_space<hbm>>
        %dma_start3A_43 = tpu.memref_squeeze %dma_start3A_42 : memref<1x128x128xf32, #tpu.memory_space<hbm>> -> memref<128x128xf32, #tpu.memory_space<hbm>>
        tpu.enqueue_dma source(%run_scoped3A_1 : memref<128x128xf32, #tpu.memory_space<vmem>>) target(%dma_start3A_43 : memref<128x128xf32, #tpu.memory_space<hbm>>) target_semaphore(%run_scoped3A_38 : memref<!tpu.dma_semaphore, #tpu.memory_space<semaphore_mem>>)
        %dma_wait3A = arith.constant 0 : i32
        %dma_wait3A_44 = tpu.memref_slice %arg6[%arg0, %add3A_37, %dma_wait3A] : memref<2x10240x128xf32, #tpu.memory_space<hbm>> -> memref<1x128x128xf32, #tpu.memory_space<hbm>>
        %dma_wait3A_45 = tpu.memref_squeeze %dma_wait3A_44 : memref<1x128x128xf32, #tpu.memory_space<hbm>> -> memref<128x128xf32, #tpu.memory_space<hbm>>
        %dma_wait3A_46 = arith.constant 0 : i32
        %dma_wait3A_47 = tpu.memref_slice %arg6[%arg0, %add3A_37, %dma_wait3A_46] : memref<2x10240x128xf32, #tpu.memory_space<hbm>> -> memref<1x128x128xf32, #tpu.memory_space<hbm>>
        %dma_wait3A_48 = tpu.memref_squeeze %dma_wait3A_47 : memref<1x128x128xf32, #tpu.memory_space<hbm>> -> memref<128x128xf32, #tpu.memory_space<hbm>>
        tpu.wait_dma2 semaphore(%run_scoped3A_38 : memref<!tpu.dma_semaphore, #tpu.memory_space<semaphore_mem>>) src(%run_scoped3A_1 : memref<128x128xf32, #tpu.memory_space<vmem>>) dst(%dma_wait3A_48 : memref<128x128xf32, #tpu.memory_space<hbm>>)
        tpu.yield
      }) : () -> ()
      tpu.yield
    }) : () -> ()
    return
  }
}

module attributes {stable_mosaic.version = 14 : i64} {
  func.func @_table_body(%arg0: i32, %arg1: memref<1000x128xf32, #tpu.memory_space<vmem>>, %arg2: memref<1000x128xf32, #tpu.memory_space<vmem>>, %arg3: memref<1000x128xf32, #tpu.memory_space<vmem>>) attributes {dimension_semantics = [#tpu.dimension_semantics<arbitrary>], iteration_bounds = array<i64: 10>, scalar_prefetch = 0 : i64, scratch_operands = 0 : i64, tpu.core_type = #tpu.core_type<tc>, window_params = [{transform_indices = @transform_0, window_bounds = array<i64: 1000, 128>}, {transform_indices = @transform_1, window_bounds = array<i64: 1000, 128>}, {transform_indices = @transform_2, window_bounds = array<i64: 1000, 128>}]} {
    %get3A = arith.constant 0 : index
    %get3A_0 = arith.constant 0 : index
    %get3A_1 = vector.load %arg1[%get3A, %get3A_0] : memref<1000x128xf32, #tpu.memory_space<vmem>>, vector<1000x128xf32>
    %max3A = arith.constant 0.000000e+00 : f32
    %max3A_2 = vector.broadcast %max3A : f32 to vector<1000x128xf32>
    %max3A_3 = arith.maximumf %get3A_1, %max3A_2 : vector<1000x128xf32>
    %add3A = arith.constant 1.000000e-07 : f32
    %add3A_4 = vector.broadcast %add3A : f32 to vector<1000x128xf32>
    %add3A_5 = arith.addf %max3A_3, %add3A_4 : vector<1000x128xf32>
    %exp3A = math.exp %add3A_5 : vector<1000x128xf32>
    %mul3A = arith.mulf %add3A_5, %exp3A : vector<1000x128xf32>
    %swap3A = arith.constant 0 : index
    %swap3A_6 = arith.constant 0 : index
    %swap3A_7 = vector.load %arg2[%swap3A, %swap3A_6] : memref<1000x128xf32, #tpu.memory_space<vmem>>, vector<1000x128xf32>
    tpu.vector_store %arg2[%swap3A, %swap3A_6], %mul3A {strides = array<i32>} : memref<1000x128xf32, #tpu.memory_space<vmem>>, vector<1000x128xf32>,
    %swap3A_8 = arith.constant 0 : index
    %swap3A_9 = arith.constant 0 : index
    %swap3A_10 = vector.load %arg3[%swap3A_8, %swap3A_9] : memref<1000x128xf32, #tpu.memory_space<vmem>>, vector<1000x128xf32>
    tpu.vector_store %arg3[%swap3A_8, %swap3A_9], %exp3A {strides = array<i32>} : memref<1000x128xf32, #tpu.memory_space<vmem>>, vector<1000x128xf32>,
    return
  }
  func.func @transform_0(%arg0: i32) -> (i32, i32) {
    %c0_i32 = arith.constant 0 : i32
    %c0_i32_0 = arith.constant 0 : i32
    return %arg0, %c0_i32 : i32, i32
  }
  func.func @transform_1(%arg0: i32) -> (i32, i32) {
    %c0_i32 = arith.constant 0 : i32
    %c0_i32_0 = arith.constant 0 : i32
    return %arg0, %c0_i32 : i32, i32
  }
  func.func @transform_2(%arg0: i32) -> (i32, i32) {
    %c0_i32 = arith.constant 0 : i32
    %c0_i32_0 = arith.constant 0 : i32
    return %arg0, %c0_i32 : i32, i32
  }
}

module attributes {stable_mosaic.version = 14 : i64} {
  func.func @_final_body(%arg0: i32, %arg1: memref<1x1000x128xf32, #tpu.memory_space<vmem>>, %arg2: memref<1x1000x128xf32, #tpu.memory_space<vmem>>, %arg3: memref<128x128xf32, #tpu.memory_space<vmem>>, %arg4: memref<1x128xf32, #tpu.memory_space<vmem>>, %arg5: memref<1000x128xf32, #tpu.memory_space<vmem>>) attributes {dimension_semantics = [#tpu.dimension_semantics<arbitrary>], iteration_bounds = array<i64: 10>, scalar_prefetch = 0 : i64, scratch_operands = 0 : i64, tpu.core_type = #tpu.core_type<tc>, window_params = [{transform_indices = @transform_0, window_bounds = array<i64: 1, 1000, 128>}, {transform_indices = @transform_1, window_bounds = array<i64: 1, 1000, 128>}, {pipeline_mode = #tpu.pipeline_mode<synchronous>, transform_indices = @transform_2, window_bounds = array<i64: 128, 128>}, {pipeline_mode = #tpu.pipeline_mode<synchronous>, transform_indices = @transform_3, window_bounds = array<i64: 1, 128>}, {transform_indices = @transform_4, window_bounds = array<i64: 1000, 128>}]} {
    %get3A = arith.constant 0 : index
    %get3A_0 = arith.constant 0 : index
    %get3A_1 = arith.constant 0 : index
    %get3A_2 = vector.load %arg2[%get3A, %get3A_0, %get3A_1] : memref<1x1000x128xf32, #tpu.memory_space<vmem>>, vector<1x1000x128xf32>
    %get3A_3 = vector.shape_cast %get3A_2 : vector<1x1000x128xf32> to vector<1000x128xf32>
    %gt3A = arith.constant 0.000000e+00 : f32
    %gt3A_4 = vector.broadcast %gt3A : f32 to vector<1000x128xf32>
    %gt3A_5 = arith.cmpf ogt, %get3A_3, %gt3A_4 : vector<1000x128xf32>
    %get3A_6 = arith.constant 0 : index
    %get3A_7 = arith.constant 0 : index
    %get3A_8 = arith.constant 0 : index
    %get3A_9 = vector.load %arg1[%get3A_6, %get3A_7, %get3A_8] : memref<1x1000x128xf32, #tpu.memory_space<vmem>>, vector<1x1000x128xf32>
    %get3A_10 = vector.shape_cast %get3A_9 : vector<1x1000x128xf32> to vector<1000x128xf32>
    %div3A = arith.divf %get3A_10, %get3A_3 : vector<1000x128xf32>
    %jit3A = arith.constant 0.000000e+00 : f32
    %broadcast_in_dim3A = vector.broadcast %jit3A : f32 to vector<1000x128xf32>
    %select_n3A = arith.select %gt3A_5, %div3A, %broadcast_in_dim3A : vector<1000x128xi1>, vector<1000x128xf32>
    %get3A_11 = arith.constant 0 : index
    %get3A_12 = arith.constant 0 : index
    %get3A_13 = vector.load %arg3[%get3A_11, %get3A_12] : memref<128x128xf32, #tpu.memory_space<vmem>>, vector<128x128xf32>
    %dot_general3A = arith.constant dense<0.000000e+00> : vector<1000x128xf32>
    %dot_general3A_14 = tpu.matmul %select_n3A, %get3A_13, %dot_general3A {dimension_numbers = #tpu.dot_dimension_numbers<[1], [1], [0], [0], [0, 0, 1, 0], [], []>, transpose_lhs_hint = false} : vector<1000x128xf32>, vector<128x128xf32>, vector<1000x128xf32> -> vector<1000x128xf32>
    %get3A_15 = arith.constant 0 : index
    %get3A_16 = arith.constant 0 : index
    %get3A_17 = vector.load %arg4[%get3A_15, %get3A_16] : memref<1x128xf32, #tpu.memory_space<vmem>>, vector<1x128xf32>
    %add3A = vector.broadcast %get3A_17 : vector<1x128xf32> to vector<1000x128xf32>
    %add3A_18 = arith.addf %dot_general3A_14, %add3A : vector<1000x128xf32>
    %swap3A = arith.constant 0 : index
    %swap3A_19 = arith.constant 0 : index
    %swap3A_20 = vector.load %arg5[%swap3A, %swap3A_19] : memref<1000x128xf32, #tpu.memory_space<vmem>>, vector<1000x128xf32>
    tpu.vector_store %arg5[%swap3A, %swap3A_19], %add3A_18 {strides = array<i32>} : memref<1000x128xf32, #tpu.memory_space<vmem>>, vector<1000x128xf32>,
    return
  }
  func.func @transform_0(%arg0: i32) -> (i32, i32, i32) {
    %c0_i32 = arith.constant 0 : i32
    %c0_i32_0 = arith.constant 0 : i32
    %c0_i32_1 = arith.constant 0 : i32
    return %c0_i32, %arg0, %c0_i32_0 : i32, i32, i32
  }
  func.func @transform_1(%arg0: i32) -> (i32, i32, i32) {
    %c1_i32 = arith.constant 1 : i32
    %c0_i32 = arith.constant 0 : i32
    %c0_i32_0 = arith.constant 0 : i32
    return %c1_i32, %arg0, %c0_i32 : i32, i32, i32
  }
  func.func @transform_2(%arg0: i32) -> (i32, i32) {
    %c0_i32 = arith.constant 0 : i32
    %c0_i32_0 = arith.constant 0 : i32
    %c0_i32_1 = arith.constant 0 : i32
    return %c0_i32, %c0_i32_0 : i32, i32
  }
  func.func @transform_3(%arg0: i32) -> (i32, i32) {
    %c0_i32 = arith.constant 0 : i32
    %c0_i32_0 = arith.constant 0 : i32
    %c0_i32_1 = arith.constant 0 : i32
    return %c0_i32, %c0_i32_0 : i32, i32
  }
  func.func @transform_4(%arg0: i32) -> (i32, i32) {
    %c0_i32 = arith.constant 0 : i32
    %c0_i32_0 = arith.constant 0 : i32
    return %arg0, %c0_i32 : i32, i32
  }
}

</mosaic_0001>

<sc_bundles>
// kernel: kernel.5.cloned.1.call-start
scs
__scs_entry_jumppad:
0x0: {  	(pc) =	sbr.rel $0x88, $3  }
0x1: {  	(tag) =	ssettag $0x0;
	lr =	simm.s32 $0x1  }
0x2: {  	[smem:$0x3F9D] =	sst lr;
	_ =	strace $0xD0000000  }
0x3: {  	_ = 	snop  }
0x4: {  	_ = 	snop  }
0x5: {  	_ = 	snop  }
0x6: {  	_ = 	snop  }
0x7: {  	_ = 	snop  }
__scs_overlays_trampoline_lowered:
0x8: {  	[smem:$0x3FAC] =	sst s0  }
0x9: {  	[smem:$0x3FAD] =	sst s1  }
0xa: {  	[smem:$0x3FAE] =	sst s2  }
0xb: {  	[smem:$0x3FAF] =	sst s3  }
0xc: {  	[smem:$0x3FB0] =	sst s4  }
0xd: {  	[smem:$0x3FB1] =	sst s5  }
0xe: {  	[smem:$0x3FB2] =	sst s6  }
0xf: {  	[smem:$0x3FB3] =	sst s7  }
0x10: {  	[smem:$0x3FB4] =	sst s8  }
0x11: {  	[smem:$0x3FB5] =	sst s9;
	s0 =	simm.s32 @!p0 $0x0  }
0x12: {  	s1 =	sld [smem:$0x3F9B];
	s0 =	simm.s32 @p0 $0x1  }
0x13: {  	[smem:$0x3FB6] =	sst s0;
	s0 =	simm.s32 @!p1 $0x0  }
0x14: {  	s2 =	sld [smem:$0x3F9A];
	s0 =	simm.s32 @p1 $0x1  }
0x15: {  	[smem:$0x3FB7] =	sst s0;
	s0 =	simm.s32 @!p2 $0x0  }
0x16: {  	s3 =	sld [smem:$0x3FDB];
	s0 =	simm.s32 @p2 $0x1  }
0x17: {  	s4 =	simm.s32 $0x1BF5;
	[smem:$0x3FB9] =	sst s0  }
0x18: {  	s0 =	sld [smem:$0x3F9C];
	_ =	swait.ge [sflag:s4], $0x0  }
0x19: {  	s7 =	sld [smem:$0x3F9D]  }
0x1a: {  	s8 =	sadd.s32 $0xFFFFE003, lr  }
0x1b: {  	s9 =	sadd.s32 $0xFFFFFEF7, lr;
	s5 =	simm.s32 $0xFFFFFFFF;
	p2 =	slt.u32 s8, $0xFFFFF086  }
0x1c: {  	p1 =	slt.u32 s9, $0xF7A;
	s5 =	simm.s32 @!p2 $0x0  }
0x1d: {  	s5 =	simm.s32 @p1 $0x1;
	p0 =	seq.s32 s7, s2  }
0x1e: {  	s7 =	smul.u32 @!p0 $0xF7A, s2;
	p2 =	seq.s32 @!p0 s5, $0x0  }
0x1f: {  	s9 =	smul.u32 $0xF7A, s1;
	s8 =	simm.s32 @!p0 $0x1BF5;
	p2 =	por !p2, p0  }
0x20: {  	[sflag:s8] =	ssyncset.s32 @!p0 $0xFFFFF086;
	s6 =	sadd.s32 @!p0 s3, s7;
	s7 =	simm.s32 @!p0 $0x108  }
0x21: {  	s3 =	sadd.s32 s3, s9;
	s6 =	sadd.s32 @!p0 $0x88, s6;
	s7 =	simm.s32 @p2 $0x1082  }
0x22: {  	[simem:s7], [sflag:s8] =	dma.local @!p0 [hbm:s6], $0xF7A  }
0x23: {  	s9 =	sor.u32 $0xD0000000, s2;
	s6 =	simm.s32 $0x108;
	_ =	swait.ge @!p0 [sflag:s8], $0x0  }
0x24: {  	s3 =	sadd.s32 $0x88, s3;
	s6 =	simm.s32 @!p1 $0x1082;
	[sflag:s4] =	ssyncset.s32 $0xFFFFF086  }
0x25: {  	[simem:s6], [sflag:s4] =	dma.local [hbm:s3], $0xF7A  }
0x26: {  	[smem:$0x3F9D] =	sst s1;
	(tag) =	ssettag s2;
	_ =	strace s9  }
0x27: {  	s1 =	sld [smem:$0x3FAD]  }
0x28: {  	s2 =	sld [smem:$0x3FAE]  }
0x29: {  	s4 =	sld [smem:$0x3FB0]  }
0x2a: {  	p0 =	seq.s32 s5, $0x0;
	s5 =	sld [smem:$0x3FB1]  }
0x2b: {  	s6 =	sld [smem:$0x3FB2]  }
0x2c: {  	s7 =	sld [smem:$0x3FB3]  }
0x2d: {  	s3 =	simm.s32 $0x108;
	s8 =	sld [smem:$0x3FB4]  }
0x2e: {  	s3 =	simm.s32 @!p0 $0x1082;
	s9 =	sld [smem:$0x3FB5]  }
0x2f: {  	lr =	sadd.s32 s0, s3;
	s0 =	sld [smem:$0x3FAC]  }
0x30: {  	s3 =	sld [smem:$0x3FAF]  }
0x31: {  	[smem:$0x3FB8] =	sst s10  }
0x32: {  	s10 =	sld [smem:$0x3FB6];
	_ =	sdelay $0x3  }
0x33: {  	p0 =	seq.s32 s10, $0x1;
	s10 =	sld [smem:$0x3FB8];
	_ =	sdelay $0x3  }
0x34: {  	[smem:$0x3FB8] =	sst s10  }
0x35: {  	s10 =	sld [smem:$0x3FB7];
	_ =	sdelay $0x3  }
0x36: {  	p1 =	seq.s32 s10, $0x1;
	s10 =	sld [smem:$0x3FB8];
	_ =	sdelay $0x3  }
0x37: {  	[smem:$0x3FB8] =	sst s10  }
0x38: {  	s10 =	sld [smem:$0x3FB9]  }
0x39: {  	_ = 	snop;
	(pc) =	sbr.ind lr, $3  }
0x3a: {  	_ = 	snop  }
0x3b: {  	_ = 	snop  }
0x3c: {  	p2 =	seq.s32 s10, $0x1;
	s10 =	sld [smem:$0x3FB8]  }
0x3d: {  	_ =	shalt  }
0x3e: {  	_ =	shalt  }
0x3f: {  	_ =	shalt  }
0x40: {  	_ =	shalt  }
0x41: {  	_ =	shalt  }
0x42: {  	_ =	shalt  }
0x43: {  	_ =	shalt  }
0x44: {  	_ =	shalt  }
0x45: {  	_ =	shalt  }
0x46: {  	_ =	shalt  }
0x47: {  	_ =	shalt  }
0x48: {  	_ =	shalt  }
0x49: {  	_ =	shalt  }
0x4a: {  	_ =	shalt  }
0x4b: {  	_ =	shalt  }
0x4c: {  	_ =	shalt  }
0x4d: {  	_ =	shalt  }
0x4e: {  	_ =	shalt  }
0x4f: {  	_ =	shalt  }
0x50: {  	_ =	shalt  }
0x51: {  	_ =	shalt  }
0x52: {  	_ =	shalt  }
0x53: {  	_ =	shalt  }
0x54: {  	_ =	shalt  }
0x55: {  	_ =	shalt  }
0x56: {  	_ =	shalt  }
0x57: {  	_ =	shalt  }
0x58: {  	_ =	shalt  }
0x59: {  	_ =	shalt  }
0x5a: {  	_ =	shalt  }
0x5b: {  	_ =	shalt  }
0x5c: {  	_ =	shalt  }
0x5d: {  	_ =	shalt  }
0x5e: {  	_ =	shalt  }
0x5f: {  	_ =	shalt  }
0x60: {  	_ =	shalt  }
0x61: {  	_ =	shalt  }
0x62: {  	_ =	shalt  }
0x63: {  	_ =	shalt  }
0x64: {  	_ =	shalt  }
0x65: {  	_ =	shalt  }
0x66: {  	_ =	shalt  }
0x67: {  	_ =	shalt  }
0x68: {  	_ =	shalt  }
0x69: {  	_ =	shalt  }
0x6a: {  	_ =	shalt  }
0x6b: {  	_ =	shalt  }
0x6c: {  	_ =	shalt  }
0x6d: {  	_ =	shalt  }
0x6e: {  	_ =	shalt  }
0x6f: {  	_ =	shalt  }
0x70: {  	_ =	shalt  }
0x71: {  	_ =	shalt  }
0x72: {  	_ =	shalt  }
0x73: {  	_ =	shalt  }
0x74: {  	_ =	shalt  }
0x75: {  	_ =	shalt  }
0x76: {  	_ =	shalt  }
0x77: {  	_ =	shalt  }
0x78: {  	_ =	shalt  }
0x79: {  	_ =	shalt  }
0x7a: {  	_ =	shalt  }
0x7b: {  	_ =	shalt  }
0x7c: {  	_ =	shalt  }
0x7d: {  	_ =	shalt  }
0x7e: {  	_ =	shalt  }
0x7f: {  	_ =	shalt  }
0x80: {  	_ =	shalt  }
0x81: {  	_ =	shalt  }
0x82: {  	_ =	shalt  }
0x83: {  	_ =	shalt  }
0x84: {  	_ =	shalt  }
0x85: {  	_ =	shalt  }
0x86: {  	_ =	shalt  }
0x87: {  	_ =	shalt  }
.Lfunc_end0:
.L_simem_size_0:
called_computation_lowered:
.L_overlay_start_0:
0x88: {  	s2 =	sld [smem:$0x3FD9]  }
0x89: {  	s3 =	sld [smem:$0x3FFE];
	_ =	sdelay $0x1  }
0x8a: {  	s1 =	srdreg.scid  }
0x8b: {  	s0 =	sand.u32 $0x1, s1  }
0x8c: {  	s17 =	sshll.u32 s0, $0xA;
	s2 =	sadd.s32 s3, s2  }
0x8d: {  	s2 =	sadd.s32 s2, s17  }
0x8e: {  	[smem:$0x3FC4] =	sst s2  }
0x8f: {  	_ = 	snop  }
0x90: {  	s2 =	sld [smem:$0x3FD0];
	(tm) =	ssettm $0x1  }
0x91: {  	s18 =	sld [smem:$0x3FFB];
	_ =	sdelay $0x3  }
0x92: {  	_ =	strace s18  }
0x93: {  	s3 =	sld [smem:$0x3FFC];
	_ =	sdelay $0x3  }
0x94: {  	_ =	strace s3  }
0x95: {  	s3 =	sld [smem:$0x3FFD];
	_ =	sdelay $0x3  }
0x96: {  	_ =	strace s3  }
0x97: {  	_ =	strace $0x8FFFFFFF  }
0x98: {  	s19 =	sld [smem:$0x3FDB];
	_ =	sdelay $0x1  }
0x99: {  	s4 =	simm.s32 $_scs_section_size  }
0x9a: {  	s5 =	simm.s32 $_size__tile_overlayer_lowered;
	s6 =	simm.s32 $_tile_overlayer_lowered  }
0x9b: {  	s22 =	simm.s32 $0x1BFF;
	s21 =	sshll.u32 s6, $0x1;
	s3 =	sadd.s32 s4, s19  }
0x9c: {  	s7 =	simm.s32 $0x0;
	s20 =	sshll.u32 s5, $0x1;
	s5 =	sadd.s32 s21, s3  }
0x9d: {  	[timem:s7], [sflag:s22] =	dma.local [hbm:s5], s20  }
0x9e: {  	_ =	swait.ge [sflag:s22], s20  }
0x9f: {  	s4 =	ssub.s32 $0x0, s20;
	[sflag:s22] =	ssyncset.done $0x0  }
0xa0: {  	[sflag:s22] =	ssyncadd.s32 s4;
	_ =	sdelay $0x1  }
0xa1: {  	s23 =	simm.s32 $0x1B8B  }
0xa2: {  	_ =	swait.ge [sflag:s23], $0x1  }
0xa3: {  	[sflag:s23] =	ssyncset.done $0x0  }
0xa4: {  	s25 =	simm.s32 $0x1B8E;
	s24 =	sld [smem:$0x3FFE];
	[sflag:s23] =	ssyncadd.s32 $0xFFFFFFFF  }
0xa5: {  	s26 =	simm.s32 $execute0_lowered;
	[smem:$0x3FD2] =	sst s25  }
0xa6: {  	s5 =	sshll.u32 s26, $0x1;
	_ =	strace $0x80000046;
	[dreg:$0x1] =	wrdreg $0xFFFFFFFF  }
0xa7: {  	s28 =	simm.s32 $_size_execute0_lowered;
	s3 =	sadd.s32 s3, s5;
	[dreg:$0x0] =	wrdreg $0x0  }
0xa8: {  	s5 =	sshll.u32 s28, $0x1;
	[dreg:$0x2] =	wrdreg s3  }
0xa9: {  	[dreg:$0x3] =	wrdreg s5  }
0xaa: {  	[dreg:$0x4] =	wrdreg $0xC0  }
0xab: {  	_ =	task [dreg:s7], $0x5FFFF  }
0xac: {  	[dreg:$0x1] =	wrdreg $0xFFFFFFFF  }
0xad: {  	[dreg:$0x0] =	wrdreg $0x60  }
0xae: {  	[dreg:$0x2] =	wrdreg s2  }
0xaf: {  	[dreg:$0x3] =	wrdreg s24  }
0xb0: {  	[dreg:$0x4] =	wrdreg $0x0  }
0xb1: {  	[dreg:$0x5] =	wrdreg $0x9  }
0xb2: {  	_ =	task.clear_ibuf [dreg:s7], $0x6FFFF;
	_ =	strace $0x90000046  }
0xb3: {  	s29 =	simm.s32 $0x9;
	_ =	strace $0x80000048  }
0xb4: {  	_ =	swait.ge [sflag:s29], $0x1  }
0xb5: {  	[sflag:s29] =	ssyncadd.s32 $0xFFFFFFFF  }
0xb6: {  	_ =	strace $0x90000048  }
0xb7: {  	_ =	sfence  }
0xb8: {  	s30 =	sld [smem:$0x0];
	_ =	sdelay $0x2  }
0xb9: {  	s31 =	sshll.u32 s1, $0xD;
	s1 =	sshrl.u32 s1, $0x2  }
0xba: {  	s3 =	sand.u32 $0x4000, s31;
	s1 =	sadd.s32 s1, s30  }
0xbb: {  	s0 =	sor.u32 s3, s0;
	s1 =	sshll.u32 s1, $0x11  }
0xbc: {  	s0 =	sor.u32 s1, s0  }
0xbd: {  	s0 =	sadd.s32 $0x8F2B, s0  }
0xbe: {  	[sflag:s0] =	ssyncadd.remote.s32 $0x1  }
0xbf: {  	_ =	sfence.sel $0xFFFF  }
0xc0: {  	[dreg:$0x0] =	wrdreg $0xFFFFFFFF;
	(pc) =	sbr.abs _section_cstart, $3  }
0xc1: {  	[dreg:$0x1] =	wrdreg $0xFFFFFFFF  }
0xc2: {  	_ =	task.clear_ibuf [dreg:s7], $0x2FFFF;
	_ =	strace $0x9FFFFFFF  }
0xc3: {  	(tm) =	ssettm $0x7FFFFFFF  }
tec
execute0_lowered:
.L_overlay_start_1:
0x0: {  	(tag) =	ssettag $0x1  }
0x1: {  	s1 =	rddreg [dreg:$0x0]  }
0x2: {  	s0 =	rddreg [dreg:$0x1]  }
0x3: {  	s2 =	rddreg [dreg:$0x2]  }
0x4: {  	s4 =	simm.s32 $0x0;
	s3 =	srdreg.scid;
	s20 =	stileid.u32  }
0x5: {  	s28 =	simm.s32 $0x2;
	s29 =	simm.s32 $0x14F80;
	s30 =	simm.s32 $0x15F00  }
0x6: {  	s31 =	simm.s32 $0x15F80;
	[smem:$0x7FF] =	sst s4;
	s5 =	sadd.s32 $0xA00, s0  }
0x7: {  	s3 =	sand.u32 $0x1, s3;
	s8 =	smul.u32 $0x50000, s20;
	s6 =	sadd.s32 $0x31C00, s0  }
0x8: {  	s13 =	smul.u32 $0x14000, s20;
	s7 =	sadd.s32 $0x27C00, s0;
	s0 =	sadd.s32 $0x3BC00, s0  }
0x9: {  	_ =	strace $0x80000047;
	s9 =	ssub.s32 $0x2, s3;
	s19 =	smul.u32 $0x140000, s3  }
0xa: {  	p0 =	seq.s32 s3, $0x1;
	s10 =	sshrl.u32 s9, $0x1;
	s8 =	sshrl.u32 s8, $0x2  }
0xb: {  	s15 =	sadd.s32 $0x4000, s13;
	s16 =	sadd.s32 $0x8000, s13;
	s17 =	sadd.s32 $0xC000, s13  }
0xc: {  	s18 =	sadd.s32 $0x10000, s13;
	s14 =	ssub.s32 s9, s10;
	s8 =	sadd.s32 s8, s2  }
0xd: {  	s9 =	sadd.s32 s15, s2;
	s10 =	sadd.s32 s16, s2;
	s11 =	sadd.s32 s17, s2  }
0xe: {  	s12 =	sadd.s32 s18, s2;
	s26 =	sadd.s32 s13, s19;
	s15 =	sadd.s32 s19, s15  }
0xf: {  	s13 =	smul.u32 $0x5000, s20;
	s21 =	sadd.s32 s19, s16;
	s22 =	sadd.s32 s19, s17  }
0x10: {  	s23 =	sadd.s32 s19, s18;
	s3 =	sshrl.u32 s26, $0x3;
	s15 =	sshrl.u32 s15, $0x3  }
0x11: {  	s24 =	sshrl.u32 s22, $0x3;
	s25 =	sshrl.u32 s23, $0x3;
	s26 =	smax.u32 s14, $0x1  }
0x12: {  	s22 =	simm.s32 $0x14000;
	s23 =	simm.s32 $0x15000;
	s3 =	sadd.s32 s0, s3  }
0x13: {  	s20 =	sadd.s32 s0, s15;
	[dreg:$0x9] =	wrdreg s26;
	s26 =	simm.s32 $0x1  }
.Ltmp0:
0x14: {  	[dreg:$0x4] =	wrdreg s3;
	s3 =	sshrl.u32 s21, $0x3;
	(pc) =	sbr.rel .LBB2_1-.Ltmp0, $4  }
0x15: {  	[dreg:$0x5] =	wrdreg s20;
	s20 =	simm.s32 $0x16000;
	s3 =	sadd.s32 s0, s3  }
0x16: {  	s21 =	simm.s32 $0x3;
	[dreg:$0x6] =	wrdreg s3;
	s3 =	sadd.s32 s0, s24  }
0x17: {  	s0 =	sadd.s32 s0, s25;
	s24 =	simm.s32 $0x80;
	[dreg:$0x7] =	wrdreg s3  }
0x18: {  	v0 =	vimm.f32 $0.0e+00;
	s25 =	simm.s32 $0x1A000;
	[dreg:$0x8] =	wrdreg s0;
	s0 =	simm.s32 $0x0  }
.LBB2_10:
0x19: {  	[bflag:$0x0] =	sbarrier.arrive $0xFFFF  }
0x1a: {  	[tilespmem:s20], [sflag:$0x3] =	stream.linear.gather [spmem:s8], $0x4000, $0x38;
	[tilespmem:$0x1E000] =	vst v63  }
0x1b: {  	_ =	swait.ge [sflag:s21], $0x4000  }
0x1c: {  	[sflag:s21] =	ssyncset.done $0x0  }
0x1d: {  	s3 =	rddreg [dreg:$0x4];
	[sflag:s21] =	ssyncadd.s32 $0xFFFFC000  }
0x1e: {  	[hbm4b:s3+s4] =	stream.linear.scatter [tilespmem:s20], [sflag:$0x3], $0x4000, $0x38;
	[tilespmem:$0x1E000] =	vst v63  }
0x1f: {  	_ =	swait.ge [sflag:s21], $0x4000  }
0x20: {  	[sflag:s21] =	ssyncset.done $0x0  }
0x21: {  	[sflag:s21] =	ssyncadd.s32 $0xFFFFC000  }
0x22: {  	[tilespmem:s20], [sflag:$0x3] =	stream.linear.gather [spmem:s9], $0x4000, $0x38;
	[tilespmem:$0x1E000] =	vst v63  }
0x23: {  	_ =	swait.ge [sflag:s21], $0x4000  }
0x24: {  	[sflag:s21] =	ssyncset.done $0x0  }
0x25: {  	s15 =	rddreg [dreg:$0x5];
	[sflag:s21] =	ssyncadd.s32 $0xFFFFC000  }
0x26: {  	[hbm4b:s15+s4] =	stream.linear.scatter [tilespmem:s20], [sflag:$0x3], $0x4000, $0x38;
	[tilespmem:$0x1E000] =	vst v63  }
0x27: {  	_ =	swait.ge [sflag:s21], $0x4000  }
0x28: {  	[sflag:s21] =	ssyncset.done $0x0  }
0x29: {  	[sflag:s21] =	ssyncadd.s32 $0xFFFFC000  }
0x2a: {  	[tilespmem:s20], [sflag:$0x3] =	stream.linear.gather [spmem:s10], $0x4000, $0x38;
	[tilespmem:$0x1E000] =	vst v63  }
0x2b: {  	_ =	swait.ge [sflag:s21], $0x4000  }
0x2c: {  	[sflag:s21] =	ssyncset.done $0x0  }
0x2d: {  	s16 =	rddreg [dreg:$0x6];
	[sflag:s21] =	ssyncadd.s32 $0xFFFFC000  }
0x2e: {  	[hbm4b:s16+s4] =	stream.linear.scatter [tilespmem:s20], [sflag:$0x3], $0x4000, $0x38;
	[tilespmem:$0x1E000] =	vst v63  }
0x2f: {  	_ =	swait.ge [sflag:s21], $0x4000  }
0x30: {  	[sflag:s21] =	ssyncset.done $0x0  }
0x31: {  	[sflag:s21] =	ssyncadd.s32 $0xFFFFC000  }
0x32: {  	[tilespmem:s20], [sflag:$0x3] =	stream.linear.gather [spmem:s11], $0x4000, $0x38;
	[tilespmem:$0x1E000] =	vst v63  }
0x33: {  	_ =	swait.ge [sflag:s21], $0x4000  }
0x34: {  	[sflag:s21] =	ssyncset.done $0x0  }
0x35: {  	s17 =	rddreg [dreg:$0x7];
	[sflag:s21] =	ssyncadd.s32 $0xFFFFC000  }
0x36: {  	[hbm4b:s17+s4] =	stream.linear.scatter [tilespmem:s20], [sflag:$0x3], $0x4000, $0x38;
	[tilespmem:$0x1E000] =	vst v63  }
0x37: {  	_ =	swait.ge [sflag:s21], $0x4000  }
0x38: {  	[sflag:s21] =	ssyncset.done $0x0  }
0x39: {  	[sflag:s21] =	ssyncadd.s32 $0xFFFFC000  }
0x3a: {  	[tilespmem:s20], [sflag:$0x3] =	stream.linear.gather [spmem:s12], $0x4000, $0x38;
	[tilespmem:$0x1E000] =	vst v63  }
0x3b: {  	_ =	swait.ge [sflag:s21], $0x4000  }
0x3c: {  	[sflag:s21] =	ssyncset.done $0x0  }
0x3d: {  	s18 =	rddreg [dreg:$0x8];
	[sflag:s21] =	ssyncadd.s32 $0xFFFFC000  }
0x3e: {  	[hbm4b:s18+s4] =	stream.linear.scatter [tilespmem:s20], [sflag:$0x3], $0x4000, $0x38;
	[tilespmem:$0x1E000] =	vst v63  }
0x3f: {  	_ =	swait.ge [sflag:s21], $0x4000  }
0x40: {  	s0 =	sadd.s32 $0x1, s0;
	s19 =	rddreg [dreg:$0x9]  }
0x41: {  	p1 =	sne.s32 s0, s19  }
.Ltmp1:
0x42: {  	_ = 	snop;
	(pc) =	sbr.rel @!p1 .LBB2_11-.Ltmp1, $3  }
0x43: {  	_ =	sdelay $0x1  }
0x44: {  	[sflag:s21] =	ssyncset.done $0x0  }
0x45: {  	[sflag:s21] =	ssyncadd.s32 $0xFFFFC000  }
.LBB2_1:
0x46: {  	s3 =	simm.s32 $0x0;
	s14 =	simm.s32 $0x200  }
.LBB2_2:
0x47: {  	p1 =	sne.s32 s14, $0xFE00;
	[tilespmem:s3+$0x16070] =	vst v0  }
0x48: {  	[tilespmem:s3+$0x16000] =	vst v0  }
0x49: {  	[tilespmem:s3+$0x16010] =	vst v0  }
.Ltmp2:
0x4a: {  	[tilespmem:s3+$0x16020] =	vst v0;
	(pc) =	sbr.rel @p1 .LBB2_2-.Ltmp2, $4  }
0x4b: {  	[tilespmem:s3+$0x16030] =	vst v0  }
0x4c: {  	[tilespmem:s3+$0x16040] =	vst v0  }
0x4d: {  	[tilespmem:s3+$0x16050] =	vst v0  }
0x4e: {  	[tilespmem:s3+$0x16060] =	vst v0;
	s3 =	sshra.s32 s14, $0x2;
	s14 =	sadd.s32 $0x200, s14  }
0x4f: {  	[tilespmem:s3+$0x16070] =	vst v0  }
0x50: {  	[tilespmem:s3+$0x16000] =	vst v0  }
0x51: {  	[tilespmem:s3+$0x16010] =	vst v0  }
0x52: {  	[tilespmem:s3+$0x16020] =	vst v0  }
0x53: {  	[tilespmem:s3+$0x16030] =	vst v0  }
0x54: {  	[tilespmem:s3+$0x16040] =	vst v0  }
0x55: {  	[tilespmem:s3+$0x16050] =	vst v0  }
0x56: {  	[tilespmem:s3+$0x16060] =	vst v0  }
0x57: {  	[spmem:s8] =	stream.linear.scatter [tilespmem:s20], [sflag:$0x3], $0x4000, $0x38;
	[tilespmem:$0x1E000] =	vst v63  }
0x58: {  	_ =	swait.ge [sflag:s21], $0x4000  }
0x59: {  	[sflag:s21] =	ssyncset.done $0x0  }
0x5a: {  	[sflag:s21] =	ssyncadd.s32 $0xFFFFC000  }
0x5b: {  	[spmem:s9] =	stream.linear.scatter [tilespmem:s20], [sflag:$0x3], $0x4000, $0x38;
	[tilespmem:$0x1E000] =	vst v63  }
0x5c: {  	_ =	swait.ge [sflag:s21], $0x4000  }
0x5d: {  	[sflag:s21] =	ssyncset.done $0x0  }
0x5e: {  	[sflag:s21] =	ssyncadd.s32 $0xFFFFC000  }
0x5f: {  	[spmem:s10] =	stream.linear.scatter [tilespmem:s20], [sflag:$0x3], $0x4000, $0x38;
	[tilespmem:$0x1E000] =	vst v63  }
0x60: {  	_ =	swait.ge [sflag:s21], $0x4000  }
0x61: {  	[sflag:s21] =	ssyncset.done $0x0  }
0x62: {  	[sflag:s21] =	ssyncadd.s32 $0xFFFFC000  }
0x63: {  	[spmem:s11] =	stream.linear.scatter [tilespmem:s20], [sflag:$0x3], $0x4000, $0x38;
	[tilespmem:$0x1E000] =	vst v63  }
0x64: {  	_ =	swait.ge [sflag:s21], $0x4000  }
0x65: {  	[sflag:s21] =	ssyncset.done $0x0  }
0x66: {  	[sflag:s21] =	ssyncadd.s32 $0xFFFFC000  }
0x67: {  	[spmem:s12] =	stream.linear.scatter [tilespmem:s20], [sflag:$0x3], $0x4000, $0x38;
	[tilespmem:$0x1E000] =	vst v63  }
.Ltmp3:
0x68: {  	_ =	swait.ge [sflag:s21], $0x4000;
	(pc) =	sbr.rel @!p0 .LBB2_4-.Ltmp3, $4  }
0x69: {  	[sflag:s21] =	ssyncset.done $0x0  }
0x6a: {  	[sflag:s21] =	ssyncadd.s32 $0xFFFFC000  }
0x6b: {  	[bflag:$0x0] =	sbarrier.arrive $0xFFFF  }
0x6c: {  	s3 =	simm.s32 $0x0;
	s14 =	simm.s32 $0x0;
	s15 =	simm.s32 $0x0  }
.LBB2_7:
0x6d: {  	s14 =	sshll.u32 s15, $0xC  }
0x6e: {  	s14 =	sadd.s32 s13, s14  }
0x6f: {  	s14 =	sshrl.u32 s14, $0x3  }
0x70: {  	s16 =	sadd.s32 s6, s14  }
0x71: {  	[tilespmem:s22], [sflag:$0x3] =	stream.linear.gather [hbm4b:s16+s3], $0x1000, $0x38;
	[tilespmem:$0x1E000] =	vst v63  }
0x72: {  	_ =	swait.ge [sflag:s21], $0x1000  }
0x73: {  	[sflag:s21] =	ssyncset.done $0x0  }
0x74: {  	s14 =	sadd.s32 s7, s14;
	[sflag:s21] =	ssyncadd.s32 $0xFFFFF000  }
0x75: {  	[tilespmem:s23], [sflag:$0x3] =	stream.linear.gather [hbm4b:s14+s3], $0x1000, $0x38;
	[tilespmem:$0x1E000] =	vst v63  }
0x76: {  	_ =	swait.ge [sflag:s21], $0x1000  }
0x77: {  	[sflag:s21] =	ssyncset.done $0x0  }
0x78: {  	[sflag:s21] =	ssyncadd.s32 $0xFFFFF000  }
0x79: {  	[tilespmem:s20], [sflag:$0x1] =	stream.indirect.gather [hbm4b:s5+s24], $0x80, s22, s24, $0xb8;
	[tilespmem:$0x1E000] =	vst v63  }
0x7a: {  	s16 =	simm.s32 $0x14080  }
0x7b: {  	[tilespmem:s25], [sflag:$0x2] =	stream.indirect.gather [hbm4b:s5+s24], $0x80, s16, s24, $0xb8;
	[tilespmem:$0x1E000] =	vst v63  }
0x7c: {  	_ =	swait.ge [sflag:s26], $0x4000  }
0x7d: {  	[sflag:s26] =	ssyncset.done $0x0  }
0x7e: {  	s17 =	simm.s32 $0x15000;
	[sflag:s26] =	ssyncadd.s32 $0xFFFFC000  }
0x7f: {  	[spmem:s2] =	stream.indirect.scatter.add.f32 [tilespmem:s20], [sflag:$0x3], $0x80, s17, s24, $0xb8;
	[tilespmem:$0x1E000] =	vst v63  }
0x80: {  	_ =	swait.ge [sflag:s21], $0x4000  }
0x81: {  	[sflag:s21] =	ssyncset.done $0x0  }
0x82: {  	s18 =	simm.s32 $0x14100;
	[sflag:s21] =	ssyncadd.s32 $0xFFFFC000  }
0x83: {  	[tilespmem:s20], [sflag:$0x1] =	stream.indirect.gather [hbm4b:s5+s24], $0x80, s18, s24, $0xb8;
	[tilespmem:$0x1E000] =	vst v63  }
0x84: {  	_ =	swait.ge [sflag:s28], $0x4000  }
0x85: {  	[sflag:s28] =	ssyncset.done $0x0  }
0x86: {  	s19 =	simm.s32 $0x15080;
	[sflag:s28] =	ssyncadd.s32 $0xFFFFC000  }
0x87: {  	[spmem:s2] =	stream.indirect.scatter.add.f32 [tilespmem:s25], [sflag:$0x3], $0x80, s19, s24, $0xb8;
	[tilespmem:$0x1E000] =	vst v63  }
0x88: {  	_ =	swait.ge [sflag:s21], $0x4000  }
0x89: {  	s14 =	simm.s32 $0x100;
	s16 =	simm.s32 $0x800;
	[sflag:s21] =	ssyncset.done $0x0  }
.LBB2_8:
0x8a: {  	s17 =	sadd.s32 $0x14080, s14  }
0x8b: {  	[sflag:s21] =	ssyncadd.s32 $0xFFFFC000;
	s18 =	smov.u32 s16;
	s19 =	sadd.s32 $0x400, s16  }
0x8c: {  	[tilespmem:s25], [sflag:$0x2] =	stream.indirect.gather [hbm4b:s5+s24], $0x80, s17, s24, $0xb8;
	[tilespmem:$0x1E000] =	vst v63  }
0x8d: {  	p1 =	sne.s32 s16, $0x3800;
	_ =	swait.ge [sflag:s26], $0x4000  }
0x8e: {  	[sflag:s26] =	ssyncset.done $0x0  }
0x8f: {  	s16 =	sadd.s32 $0x15000, s14;
	[sflag:s26] =	ssyncadd.s32 $0xFFFFC000  }
0x90: {  	[spmem:s2] =	stream.indirect.scatter.add.f32 [tilespmem:s20], [sflag:$0x3], $0x80, s16, s24, $0xb8;
	[tilespmem:$0x1E000] =	vst v63  }
0x91: {  	_ =	swait.ge [sflag:s21], $0x4000  }
0x92: {  	[sflag:s21] =	ssyncset.done $0x0  }
0x93: {  	s16 =	sadd.s32 $0x14100, s14;
	[sflag:s21] =	ssyncadd.s32 $0xFFFFC000  }
0x94: {  	[tilespmem:s20], [sflag:$0x1] =	stream.indirect.gather [hbm4b:s5+s24], $0x80, s16, s24, $0xb8;
	[tilespmem:$0x1E000] =	vst v63  }
0x95: {  	_ =	swait.ge [sflag:s28], $0x4000  }
.Ltmp4:
0x96: {  	[sflag:s28] =	ssyncset.done $0x0;
	(pc) =	sbr.rel @p1 .LBB2_8-.Ltmp4, $4  }
0x97: {  	s14 =	sadd.s32 $0x15080, s14;
	[sflag:s28] =	ssyncadd.s32 $0xFFFFC000  }
0x98: {  	[spmem:s2] =	stream.indirect.scatter.add.f32 [tilespmem:s25], [sflag:$0x3], $0x80, s14, s24, $0xb8;
	[tilespmem:$0x1E000] =	vst v63  }
0x99: {  	_ =	swait.ge [sflag:s21], $0x4000  }
0x9a: {  	s16 =	smov.u32 s19;
	s14 =	sshra.s32 s18, $0x2;
	[sflag:s21] =	ssyncset.done $0x0  }
0x9b: {  	s16 =	sadd.s32 $0x14080, s14;
	[sflag:s21] =	ssyncadd.s32 $0xFFFFC000  }
0x9c: {  	[tilespmem:s25], [sflag:$0x2] =	stream.indirect.gather [hbm4b:s5+s24], $0x80, s16, s24, $0xb8;
	[tilespmem:$0x1E000] =	vst v63  }
0x9d: {  	_ =	swait.ge [sflag:s26], $0x4000  }
0x9e: {  	[sflag:s26] =	ssyncset.done $0x0  }
0x9f: {  	s17 =	sadd.s32 $0x15000, s14;
	[sflag:s26] =	ssyncadd.s32 $0xFFFFC000  }
0xa0: {  	[spmem:s2] =	stream.indirect.scatter.add.f32 [tilespmem:s20], [sflag:$0x3], $0x80, s17, s24, $0xb8;
	[tilespmem:$0x1E000] =	vst v63  }
0xa1: {  	_ =	swait.ge [sflag:s21], $0x4000  }
0xa2: {  	[sflag:s21] =	ssyncset.done $0x0  }
0xa3: {  	s18 =	sadd.s32 $0x14100, s14;
	[sflag:s21] =	ssyncadd.s32 $0xFFFFC000  }
0xa4: {  	[tilespmem:s20], [sflag:$0x1] =	stream.indirect.gather [hbm4b:s5+s24], $0x80, s18, s24, $0xb8;
	[tilespmem:$0x1E000] =	vst v63  }
0xa5: {  	_ =	swait.ge [sflag:s28], $0x4000  }
0xa6: {  	[sflag:s28] =	ssyncset.done $0x0  }
0xa7: {  	s19 =	sadd.s32 $0x15080, s14;
	[sflag:s28] =	ssyncadd.s32 $0xFFFFC000  }
0xa8: {  	[spmem:s2] =	stream.indirect.scatter.add.f32 [tilespmem:s25], [sflag:$0x3], $0x80, s19, s24, $0xb8;
	[tilespmem:$0x1E000] =	vst v63  }
0xa9: {  	_ =	swait.ge [sflag:s21], $0x4000  }
0xaa: {  	[sflag:s21] =	ssyncset.done $0x0  }
0xab: {  	[sflag:s21] =	ssyncadd.s32 $0xFFFFC000  }
0xac: {  	[tilespmem:s25], [sflag:$0x2] =	stream.indirect.gather [hbm4b:s5+s24], $0x80, s29, s24, $0xb8;
	[tilespmem:$0x1E000] =	vst v63  }
0xad: {  	_ =	swait.ge [sflag:s26], $0x4000  }
0xae: {  	[sflag:s26] =	ssyncset.done $0x0  }
0xaf: {  	[sflag:s26] =	ssyncadd.s32 $0xFFFFC000  }
0xb0: {  	[spmem:s2] =	stream.indirect.scatter.add.f32 [tilespmem:s20], [sflag:$0x3], $0x80, s30, s24, $0xb8;
	[tilespmem:$0x1E000] =	vst v63  }
0xb1: {  	_ =	swait.ge [sflag:s21], $0x4000  }
0xb2: {  	[sflag:s21] =	ssyncset.done $0x0  }
0xb3: {  	[sflag:s21] =	ssyncadd.s32 $0xFFFFC000  }
0xb4: {  	_ =	swait.ge [sflag:s28], $0x4000  }
0xb5: {  	s15 =	sadd.s32 $0x1, s15;
	[sflag:s28] =	ssyncset.done $0x0  }
0xb6: {  	p1 =	sne.s32 s15, $0x5;
	[sflag:s28] =	ssyncadd.s32 $0xFFFFC000  }
0xb7: {  	[spmem:s2] =	stream.indirect.scatter.add.f32 [tilespmem:s25], [sflag:$0x3], $0x80, s31, s24, $0xb8;
	[tilespmem:$0x1E000] =	vst v63  }
.Ltmp5:
0xb8: {  	_ = 	snop;
	(pc) =	sbr.rel @p1 .LBB2_7-.Ltmp5, $4  }
.Ltmp6:
0xb9: {  	_ = 	snop;
	(pc) =	sbr.rel @!p1 .LBB2_10-.Ltmp6, $4  }
0xba: {  	_ =	swait.ge [sflag:s21], $0x4000  }
0xbb: {  	[sflag:s21] =	ssyncset.done $0x0  }
0xbc: {  	[sflag:s21] =	ssyncadd.s32 $0xFFFFC000  }
0xbd: {  	_ = 	snop  }
.LBB2_4:
0xbe: {  	s15 =	sshll.u32 s14, $0xC  }
0xbf: {  	s15 =	sadd.s32 s13, s15  }
0xc0: {  	s15 =	sshrl.u32 s15, $0x3  }
0xc1: {  	s16 =	sadd.s32 s6, s15  }
0xc2: {  	[tilespmem:s22], [sflag:$0x3] =	stream.linear.gather [hbm4b:s16+s3], $0x1000, $0x38;
	[tilespmem:$0x1E000] =	vst v63  }
0xc3: {  	_ =	swait.ge [sflag:s21], $0x1000  }
0xc4: {  	[sflag:s21] =	ssyncset.done $0x0  }
0xc5: {  	s15 =	sadd.s32 s7, s15;
	[sflag:s21] =	ssyncadd.s32 $0xFFFFF000  }
0xc6: {  	[tilespmem:s23], [sflag:$0x3] =	stream.linear.gather [hbm4b:s15+s3], $0x1000, $0x38;
	[tilespmem:$0x1E000] =	vst v63  }
0xc7: {  	_ =	swait.ge [sflag:s21], $0x1000  }
0xc8: {  	[sflag:s21] =	ssyncset.done $0x0  }
0xc9: {  	[sflag:s21] =	ssyncadd.s32 $0xFFFFF000  }
0xca: {  	[tilespmem:s20], [sflag:$0x1] =	stream.indirect.gather [hbm4b:s1+s24], $0x80, s22, s24, $0xb8;
	[tilespmem:$0x1E000] =	vst v63  }
0xcb: {  	s16 =	simm.s32 $0x14080  }
0xcc: {  	[tilespmem:s25], [sflag:$0x2] =	stream.indirect.gather [hbm4b:s1+s24], $0x80, s16, s24, $0xb8;
	[tilespmem:$0x1E000] =	vst v63  }
0xcd: {  	_ =	swait.ge [sflag:s26], $0x4000  }
0xce: {  	[sflag:s26] =	ssyncset.done $0x0  }
0xcf: {  	s17 =	simm.s32 $0x15000;
	[sflag:s26] =	ssyncadd.s32 $0xFFFFC000  }
0xd0: {  	[spmem:s2] =	stream.indirect.scatter.add.f32 [tilespmem:s20], [sflag:$0x3], $0x80, s17, s24, $0xb8;
	[tilespmem:$0x1E000] =	vst v63  }
0xd1: {  	_ =	swait.ge [sflag:s21], $0x4000  }
0xd2: {  	[sflag:s21] =	ssyncset.done $0x0  }
0xd3: {  	s18 =	simm.s32 $0x14100;
	[sflag:s21] =	ssyncadd.s32 $0xFFFFC000  }
0xd4: {  	[tilespmem:s20], [sflag:$0x1] =	stream.indirect.gather [hbm4b:s1+s24], $0x80, s18, s24, $0xb8;
	[tilespmem:$0x1E000] =	vst v63  }
0xd5: {  	_ =	swait.ge [sflag:s28], $0x4000  }
0xd6: {  	[sflag:s28] =	ssyncset.done $0x0  }
0xd7: {  	s19 =	simm.s32 $0x15080;
	[sflag:s28] =	ssyncadd.s32 $0xFFFFC000  }
0xd8: {  	[spmem:s2] =	stream.indirect.scatter.add.f32 [tilespmem:s25], [sflag:$0x3], $0x80, s19, s24, $0xb8;
	[tilespmem:$0x1E000] =	vst v63  }
0xd9: {  	_ =	swait.ge [sflag:s21], $0x4000  }
0xda: {  	s15 =	simm.s32 $0x100;
	s16 =	simm.s32 $0x800;
	[sflag:s21] =	ssyncset.done $0x0  }
.LBB2_5:
0xdb: {  	s17 =	sadd.s32 $0x14080, s15  }
0xdc: {  	[sflag:s21] =	ssyncadd.s32 $0xFFFFC000;
	s18 =	smov.u32 s16;
	s19 =	sadd.s32 $0x400, s16  }
0xdd: {  	[tilespmem:s25], [sflag:$0x2] =	stream.indirect.gather [hbm4b:s1+s24], $0x80, s17, s24, $0xb8;
	[tilespmem:$0x1E000] =	vst v63  }
0xde: {  	p1 =	sne.s32 s16, $0x3800;
	_ =	swait.ge [sflag:s26], $0x4000  }
0xdf: {  	[sflag:s26] =	ssyncset.done $0x0  }
0xe0: {  	s16 =	sadd.s32 $0x15000, s15;
	[sflag:s26] =	ssyncadd.s32 $0xFFFFC000  }
0xe1: {  	[spmem:s2] =	stream.indirect.scatter.add.f32 [tilespmem:s20], [sflag:$0x3], $0x80, s16, s24, $0xb8;
	[tilespmem:$0x1E000] =	vst v63  }
0xe2: {  	_ =	swait.ge [sflag:s21], $0x4000  }
0xe3: {  	[sflag:s21] =	ssyncset.done $0x0  }
0xe4: {  	s16 =	sadd.s32 $0x14100, s15;
	[sflag:s21] =	ssyncadd.s32 $0xFFFFC000  }
0xe5: {  	[tilespmem:s20], [sflag:$0x1] =	stream.indirect.gather [hbm4b:s1+s24], $0x80, s16, s24, $0xb8;
	[tilespmem:$0x1E000] =	vst v63  }
0xe6: {  	_ =	swait.ge [sflag:s28], $0x4000  }
.Ltmp7:
0xe7: {  	[sflag:s28] =	ssyncset.done $0x0;
	(pc) =	sbr.rel @p1 .LBB2_5-.Ltmp7, $4  }
0xe8: {  	s15 =	sadd.s32 $0x15080, s15;
	[sflag:s28] =	ssyncadd.s32 $0xFFFFC000  }
0xe9: {  	[spmem:s2] =	stream.indirect.scatter.add.f32 [tilespmem:s25], [sflag:$0x3], $0x80, s15, s24, $0xb8;
	[tilespmem:$0x1E000] =	vst v63  }
0xea: {  	_ =	swait.ge [sflag:s21], $0x4000  }
0xeb: {  	s16 =	smov.u32 s19;
	s15 =	sshra.s32 s18, $0x2;
	[sflag:s21] =	ssyncset.done $0x0  }
0xec: {  	s16 =	sadd.s32 $0x14080, s15;
	[sflag:s21] =	ssyncadd.s32 $0xFFFFC000  }
0xed: {  	[tilespmem:s25], [sflag:$0x2] =	stream.indirect.gather [hbm4b:s1+s24], $0x80, s16, s24, $0xb8;
	[tilespmem:$0x1E000] =	vst v63  }
0xee: {  	_ =	swait.ge [sflag:s26], $0x4000  }
0xef: {  	[sflag:s26] =	ssyncset.done $0x0  }
0xf0: {  	s17 =	sadd.s32 $0x15000, s15;
	[sflag:s26] =	ssyncadd.s32 $0xFFFFC000  }
0xf1: {  	[spmem:s2] =	stream.indirect.scatter.add.f32 [tilespmem:s20], [sflag:$0x3], $0x80, s17, s24, $0xb8;
	[tilespmem:$0x1E000] =	vst v63  }
0xf2: {  	_ =	swait.ge [sflag:s21], $0x4000  }
0xf3: {  	[sflag:s21] =	ssyncset.done $0x0  }
0xf4: {  	s18 =	sadd.s32 $0x14100, s15;
	[sflag:s21] =	ssyncadd.s32 $0xFFFFC000  }
0xf5: {  	[tilespmem:s20], [sflag:$0x1] =	stream.indirect.gather [hbm4b:s1+s24], $0x80, s18, s24, $0xb8;
	[tilespmem:$0x1E000] =	vst v63  }
0xf6: {  	_ =	swait.ge [sflag:s28], $0x4000  }
0xf7: {  	[sflag:s28] =	ssyncset.done $0x0  }
0xf8: {  	s19 =	sadd.s32 $0x15080, s15;
	[sflag:s28] =	ssyncadd.s32 $0xFFFFC000  }
0xf9: {  	[spmem:s2] =	stream.indirect.scatter.add.f32 [tilespmem:s25], [sflag:$0x3], $0x80, s19, s24, $0xb8;
	[tilespmem:$0x1E000] =	vst v63  }
0xfa: {  	_ =	swait.ge [sflag:s21], $0x4000  }
0xfb: {  	[sflag:s21] =	ssyncset.done $0x0  }
0xfc: {  	[sflag:s21] =	ssyncadd.s32 $0xFFFFC000  }
0xfd: {  	[tilespmem:s25], [sflag:$0x2] =	stream.indirect.gather [hbm4b:s1+s24], $0x80, s29, s24, $0xb8;
	[tilespmem:$0x1E000] =	vst v63  }
0xfe: {  	_ =	swait.ge [sflag:s26], $0x4000  }
0xff: {  	[sflag:s26] =	ssyncset.done $0x0  }
0x100: {  	[sflag:s26] =	ssyncadd.s32 $0xFFFFC000  }
0x101: {  	[spmem:s2] =	stream.indirect.scatter.add.f32 [tilespmem:s20], [sflag:$0x3], $0x80, s30, s24, $0xb8;
	[tilespmem:$0x1E000] =	vst v63  }
0x102: {  	_ =	swait.ge [sflag:s21], $0x4000  }
0x103: {  	[sflag:s21] =	ssyncset.done $0x0  }
0x104: {  	[sflag:s21] =	ssyncadd.s32 $0xFFFFC000  }
0x105: {  	_ =	swait.ge [sflag:s28], $0x4000  }
0x106: {  	s14 =	sadd.s32 $0x1, s14;
	[sflag:s28] =	ssyncset.done $0x0  }
0x107: {  	p1 =	seq.s32 s14, $0x5;
	[sflag:s28] =	ssyncadd.s32 $0xFFFFC000  }
0x108: {  	[spmem:s2] =	stream.indirect.scatter.add.f32 [tilespmem:s25], [sflag:$0x3], $0x80, s31, s24, $0xb8;
	[tilespmem:$0x1E000] =	vst v63  }
.Ltmp8:
0x109: {  	_ = 	snop;
	(pc) =	sbr.rel @!p1 .LBB2_4-.Ltmp8, $4  }
.Ltmp9:
0x10a: {  	_ = 	snop;
	(pc) =	sbr.rel @p1 .LBB2_10-.Ltmp9, $4  }
0x10b: {  	_ =	swait.ge [sflag:s21], $0x4000  }
0x10c: {  	[sflag:s21] =	ssyncset.done $0x0  }
0x10d: {  	[sflag:s21] =	ssyncadd.s32 $0xFFFFC000  }
0x10e: {  	_ = 	snop  }
.LBB2_11:
0x10f: {  	_ =	sfence.sel $0x180000  }
0x110: {  	[bflag:$0x0] =	sbarrier.arrive $0xFFFF  }
0x111: {  	_ =	strace $0x90000047  }
0x112: {  	s0 =	stileid.u32;
	[bflag:$0x2] =	sbarrier.arrive $0xFFFF  }
0x113: {  	p0 =	sne.s32 s0, $0x0;
	s0 =	rddreg [dreg:$0x3]  }
0x114: {  	s0 =	sadd.s32 @!p0 $0x100000, s0  }
0x115: {  	[sflag:s0] =	ssyncadd.tile.s32 @!p0 $0x1;
	_ =	shalt  }
.Lfunc_end2:
_tile_overlayer_lowered:
.L_overlay_start_2:
0x116: {  	(tag) =	ssettag $0x2  }
0x117: {  	s0 =	rddreg [dreg:$0x0];
	s2 =	stileid.u32  }
0x118: {  	s1 =	rddreg [dreg:$0x1];
	p0 =	sne.s32 s2, $0x0  }
0x119: {  	s3 =	rddreg [dreg:$0x2];
	[bflag:$0x3] =	sbarrier.arrive $0xFFFF;
	s2 =	simm.s32 @!p0 $0x1C01  }
0x11a: {  	[timem:s3], [sflag:s2] =	dma.local @!p0 [hbm:s0], s1  }
0x11b: {  	s0 =	simm.s32 @!p0 $0x1  }
0x11c: {  	_ =	swait.ge @!p0 [sflag:s0], s1  }
0x11d: {  	s1 =	ssub.s32 @!p0 $0x0, s1;
	[sflag:s0] =	ssyncset.done @!p0 $0x0  }
0x11e: {  	[sflag:s0] =	ssyncadd.s32 @!p0 s1  }
0x11f: {  	[bflag:$0x3] =	sbarrier.arrive $0xFFFF  }
0x120: {  	_ =	shalt  }

</sc_bundles>
